<compile_context>
chip_gen: v7x
topology: tpu7x:2x2x1
jax: 0.10.2.dev20260603
libtpu: 0.0.44.dev20260713+nightly
codegen_flags: <defaults>
</compile_context>

<pallas_src>
import dataclasses
import numpy as np
import jax
import jax.numpy as jnp
from jax import lax
from jax.experimental import pallas as pl
from jax.experimental.pallas import tpu as pltpu
from jax.experimental.pallas import tpu_sc as plsc

_FROM = (0, 1, 2, 3, 4, 5, 6, 3, 8, 9, 10, 3, 12, 13, 14, 0, 16, 17, 18, 0, 20, 21)
_TO = tuple(range(1, 23))
_NUM_LIMBS = 22

_NC, _NS, _L = 2, 16, 16
_NW = _NC * _NS


def _sqrt16(x):
    x = jnp.maximum(x, jnp.float32(1e-35))
    xi = lax.bitcast_convert_type(x, jnp.int32)
    yi = jnp.int32(0x5F3759DF) - lax.shift_right_logical(xi, 1)
    y = lax.bitcast_convert_type(yi, jnp.float32)
    xh = x * jnp.float32(0.5)
    for _ in range(3):
        y = y * (jnp.float32(1.5) - xh * y * y)
    return x * y


def kernel(kpts_gt, kpts_pred):
    n, ncoord, nkpt = kpts_gt.shape
    bpw = n // _NW
    ngroups = bpw // _L

    mesh = plsc.VectorSubcoreMesh(core_axis_name="c", subcore_axis_name="s")
    cp = pltpu.CompilerParams()
    if "needs_layout_passes" in pltpu.CompilerParams.__dataclass_fields__:
        cp = dataclasses.replace(cp, needs_layout_passes=False)

    nfeat = ncoord * nkpt
    wpw = bpw * nfeat

    @jax.jit
    def run(gt, pr):
        @pl.kernel(
            out_type=jax.ShapeDtypeStruct((_NW, _L), jnp.float32),
            mesh=mesh,
            compiler_params=cp,
            scratch_types=[
                pltpu.VMEM((wpw,), jnp.float32),
                pltpu.VMEM((wpw,), jnp.float32),
                pltpu.VMEM((_L,), jnp.float32),
            ],
        )
        def sc_loss(gt_hbm, pr_hbm, out_hbm, gt_v, pr_v, acc_v):
            cid = lax.axis_index("c")
            sid = lax.axis_index("s")
            wid = sid * _NC + cid
            base = wid * wpw
            pltpu.sync_copy(gt_hbm.at[pl.ds(base, wpw)], gt_v)
            pltpu.sync_copy(pr_hbm.at[pl.ds(base, wpw)], pr_v)
            acc_v[...] = jnp.zeros((_L,), jnp.float32)
            viota = lax.iota(jnp.int32, _L) * nfeat

            @pl.loop(0, ngroups)
            def _(g):
                vb = viota + g * (_L * nfeat)
                accs = [None] * _NUM_LIMBS
                for c in range(ncoord):
                    cols = []
                    for k in range(nkpt):
                        idx = vb + (c * nkpt + k)
                        a = plsc.load_gather(gt_v, [idx])
                        b = plsc.load_gather(pr_v, [idx])
                        cols.append(a - b)
                    for l in range(_NUM_LIMBS):
                        t = cols[_FROM[l]] - cols[_TO[l]]
                        sq = t * t
                        accs[l] = sq if accs[l] is None else accs[l] + sq
                total = acc_v[...]
                for l in range(_NUM_LIMBS):
                    total = total + _sqrt16(accs[l])
                acc_v[...] = total

            pltpu.sync_copy(acc_v, out_hbm.at[wid])

        return sc_loss(gt.reshape(-1), pr.reshape(-1))

    partials = run(kpts_gt, kpts_pred)
    return jnp.sum(partials) / np.float32(n * _NUM_LIMBS)

# --- scband reference (transcript-rebuilt; emitter-appended) ---
"""Pipeline reference for scband-bone-vector-loss-36197984371505 (READ-ONLY COPY).

The authoritative reference and input builder live on the scoring server;
editing this copy changes nothing except your own understanding.
"""

import jax, jax.numpy as jnp
import numpy as np

# rat23 body profile: 22 limbs (bone index pairs) over 23 keypoints.
LIMBS = np.array([
    [0, 1], [1, 2], [2, 3], [3, 4], [4, 5], [5, 6], [6, 7],
    [3, 8], [8, 9], [9, 10], [10, 11],
    [3, 12], [12, 13], [13, 14], [14, 15],
    [0, 16], [16, 17], [17, 18], [18, 19],
    [0, 20], [20, 21], [21, 22],
], dtype=np.int64)
LOSS_WEIGHT = 1.0


def setup_inputs(seed: int = 0) -> dict:
    key = jax.random.key(seed)
    k1, k2 = jax.random.split(key)
    kpts_gt = jax.random.normal(k1, (16384, 3, 23), dtype=jnp.float32)
    kpts_pred = jax.random.normal(k2, (16384, 3, 23), dtype=jnp.float32)
    return {"kpts_gt": kpts_gt, "kpts_pred": kpts_pred}


def _bone_vectors(kpts):
    # gather the 'from' and 'to' keypoints along the keypoint axis (dim 2)
    kpts_from = jnp.take(kpts, LIMBS[:, 0], axis=2)
    kpts_to = jnp.take(kpts, LIMBS[:, 1], axis=2)
    return kpts_from - kpts_to


def reference(kpts_gt, kpts_pred):
    bvec_gt = _bone_vectors(kpts_gt)
    bvec_pred = _bone_vectors(kpts_pred)
    diff = bvec_gt - bvec_pred
    # torch.norm(..., dim=1): L2 norm over the coordinate axis (size 3)
    loss = jnp.mean(jnp.sqrt(jnp.sum(diff * diff, axis=1)))
    return loss * LOSS_WEIGHT

if __name__ == "__main__":
    import jax
    _d = setup_inputs()
    print(jax.jit(kernel)(*tuple(_d.values())))

</pallas_src>

<mosaic_0001>
#map = affine_map<(d0, d1) -> (0)>
#map1 = affine_map<(d0, d1) -> (0, 0)>
module attributes {stable_mosaic.version = 14 : i64} {
  func.func @sc_loss(%arg0: i32, %arg1: i32, %arg2: memref<1130496xf32, #tpu.memory_space<hbm>>, %arg3: memref<1130496xf32, #tpu.memory_space<hbm>>, %arg4: memref<32x16xf32, #tpu.memory_space<hbm>>, %arg5: memref<35328xf32, #tpu.memory_space<vmem>>, %arg6: memref<35328xf32, #tpu.memory_space<vmem>>, %arg7: memref<16xf32, #tpu.memory_space<vmem>>) attributes {dimension_semantics = [#tpu.dimension_semantics<core_parallel>, #tpu.dimension_semantics<subcore_parallel>], iteration_bounds = array<i64: 2, 16>, scalar_prefetch = 0 : i64, scratch_operands = 3 : i64, tpu.core_type = #tpu.core_type<sc_vector_subcore>, window_params = [{transform_indices = #map}, {transform_indices = #map}, {transform_indices = #map1}]} {
    %mul3A = arith.constant 2 : i32
    %mul3A_0 = arith.muli %arg1, %mul3A : i32
    %add3A = arith.addi %mul3A_0, %arg0 : i32
    %mul3A_1 = arith.constant 35328 : i32
    %mul3A_2 = arith.muli %add3A, %mul3A_1 : i32
    "tpu.region"() ({
      %run_scoped3A = tpu.sem_alloc : memref<!tpu.dma_semaphore, #tpu.memory_space<semaphore_mem>>
      %dma_start3A = tpu.memref_slice %arg2[%mul3A_2] : memref<1130496xf32, #tpu.memory_space<hbm>> -> memref<35328xf32, #tpu.memory_space<hbm>>
      %dma_start3A_12 = tpu.memref_slice %arg2[%mul3A_2] : memref<1130496xf32, #tpu.memory_space<hbm>> -> memref<35328xf32, #tpu.memory_space<hbm>>
      tpu.enqueue_dma source(%dma_start3A_12 : memref<35328xf32, #tpu.memory_space<hbm>>) target(%arg5 : memref<35328xf32, #tpu.memory_space<vmem>>) target_semaphore(%run_scoped3A : memref<!tpu.dma_semaphore, #tpu.memory_space<semaphore_mem>>)
      %dma_wait3A = tpu.memref_slice %arg2[%mul3A_2] : memref<1130496xf32, #tpu.memory_space<hbm>> -> memref<35328xf32, #tpu.memory_space<hbm>>
      %dma_wait3A_13 = tpu.memref_slice %arg2[%mul3A_2] : memref<1130496xf32, #tpu.memory_space<hbm>> -> memref<35328xf32, #tpu.memory_space<hbm>>
      tpu.wait_dma2 semaphore(%run_scoped3A : memref<!tpu.dma_semaphore, #tpu.memory_space<semaphore_mem>>) src(%dma_wait3A_13 : memref<35328xf32, #tpu.memory_space<hbm>>) dst(%arg5 : memref<35328xf32, #tpu.memory_space<vmem>>)
      tpu.yield
    }) : () -> ()
    "tpu.region"() ({
      %run_scoped3A = tpu.sem_alloc : memref<!tpu.dma_semaphore, #tpu.memory_space<semaphore_mem>>
      %dma_start3A = tpu.memref_slice %arg3[%mul3A_2] : memref<1130496xf32, #tpu.memory_space<hbm>> -> memref<35328xf32, #tpu.memory_space<hbm>>
      %dma_start3A_12 = tpu.memref_slice %arg3[%mul3A_2] : memref<1130496xf32, #tpu.memory_space<hbm>> -> memref<35328xf32, #tpu.memory_space<hbm>>
      tpu.enqueue_dma source(%dma_start3A_12 : memref<35328xf32, #tpu.memory_space<hbm>>) target(%arg6 : memref<35328xf32, #tpu.memory_space<vmem>>) target_semaphore(%run_scoped3A : memref<!tpu.dma_semaphore, #tpu.memory_space<semaphore_mem>>)
      %dma_wait3A = tpu.memref_slice %arg3[%mul3A_2] : memref<1130496xf32, #tpu.memory_space<hbm>> -> memref<35328xf32, #tpu.memory_space<hbm>>
      %dma_wait3A_13 = tpu.memref_slice %arg3[%mul3A_2] : memref<1130496xf32, #tpu.memory_space<hbm>> -> memref<35328xf32, #tpu.memory_space<hbm>>
      tpu.wait_dma2 semaphore(%run_scoped3A : memref<!tpu.dma_semaphore, #tpu.memory_space<semaphore_mem>>) src(%dma_wait3A_13 : memref<35328xf32, #tpu.memory_space<hbm>>) dst(%arg6 : memref<35328xf32, #tpu.memory_space<vmem>>)
      tpu.yield
    }) : () -> ()
    %broadcast_in_dim3A = arith.constant 0.000000e+00 : f32
    %broadcast_in_dim3A_3 = vector.broadcast %broadcast_in_dim3A : f32 to vector<16xf32>
    %swap3A = arith.constant 0 : index
    %swap3A_4 = tpu.vector_load %arg7[%swap3A] {strides = array<i32>} : memref<16xf32, #tpu.memory_space<vmem>>, vector<16xf32>,
    tpu.vector_store %arg7[%swap3A], %broadcast_in_dim3A_3 {strides = array<i32>} : memref<16xf32, #tpu.memory_space<vmem>>, vector<16xf32>,
    %iota3A = tpu.iota {dimensions = array<i32: 0>} : vector<16xi32>
    %mul3A_5 = arith.constant 69 : i32
    %mul3A_6 = vector.broadcast %mul3A_5 : i32 to vector<16xi32>
    %mul3A_7 = arith.muli %iota3A, %mul3A_6 : vector<16xi32>
    %scan3A = arith.constant 0 : i32
    %scan3A_8 = arith.constant 32 : i32
    %scan3A_9 = arith.addi %scan3A, %scan3A_8 : i32
    %scan3A_10 = arith.constant 1 : i32
    scf.for %scan3A_12 = %scan3A to %scan3A_9 step %scan3A_10  : i32 {
      %mul3A_13 = arith.constant 1 : i32
      %mul3A_14 = arith.muli %scan3A_12, %mul3A_13 : i32
      %add3A_15 = arith.constant 0 : i32
      %add3A_16 = arith.addi %add3A_15, %mul3A_14 : i32
      %mul3A_17 = arith.constant 1104 : i32
      %mul3A_18 = arith.muli %add3A_16, %mul3A_17 : i32
      %add3A_19 = vector.broadcast %mul3A_18 : i32 to vector<16xi32>
      %add3A_20 = arith.addi %mul3A_7, %add3A_19 : vector<16xi32>
      %add3A_21 = arith.constant 0 : i32
      %add3A_22 = vector.broadcast %add3A_21 : i32 to vector<16xi32>
      %add3A_23 = arith.addi %add3A_20, %add3A_22 : vector<16xi32>
      %gather3A = tpu.vector_load_idx %arg5[%add3A_23] : memref<35328xf32, #tpu.memory_space<vmem>>[vector<16xi32>], vector<16xf32>,
      %gather3A_24 = tpu.vector_load_idx %arg6[%add3A_23] : memref<35328xf32, #tpu.memory_space<vmem>>[vector<16xi32>], vector<16xf32>,
      %sub3A = arith.subf %gather3A, %gather3A_24 : vector<16xf32>
      %add3A_25 = arith.constant 1 : i32
      %add3A_26 = vector.broadcast %add3A_25 : i32 to vector<16xi32>
      %add3A_27 = arith.addi %add3A_20, %add3A_26 : vector<16xi32>
      %gather3A_28 = tpu.vector_load_idx %arg5[%add3A_27] : memref<35328xf32, #tpu.memory_space<vmem>>[vector<16xi32>], vector<16xf32>,
      %gather3A_29 = tpu.vector_load_idx %arg6[%add3A_27] : memref<35328xf32, #tpu.memory_space<vmem>>[vector<16xi32>], vector<16xf32>,
      %sub3A_30 = arith.subf %gather3A_28, %gather3A_29 : vector<16xf32>
      %add3A_31 = arith.constant 2 : i32
      %add3A_32 = vector.broadcast %add3A_31 : i32 to vector<16xi32>
      %add3A_33 = arith.addi %add3A_20, %add3A_32 : vector<16xi32>
      %gather3A_34 = tpu.vector_load_idx %arg5[%add3A_33] : memref<35328xf32, #tpu.memory_space<vmem>>[vector<16xi32>], vector<16xf32>,
      %gather3A_35 = tpu.vector_load_idx %arg6[%add3A_33] : memref<35328xf32, #tpu.memory_space<vmem>>[vector<16xi32>], vector<16xf32>,
      %sub3A_36 = arith.subf %gather3A_34, %gather3A_35 : vector<16xf32>
      %add3A_37 = arith.constant 3 : i32
      %add3A_38 = vector.broadcast %add3A_37 : i32 to vector<16xi32>
      %add3A_39 = arith.addi %add3A_20, %add3A_38 : vector<16xi32>
      %gather3A_40 = tpu.vector_load_idx %arg5[%add3A_39] : memref<35328xf32, #tpu.memory_space<vmem>>[vector<16xi32>], vector<16xf32>,
      %gather3A_41 = tpu.vector_load_idx %arg6[%add3A_39] : memref<35328xf32, #tpu.memory_space<vmem>>[vector<16xi32>], vector<16xf32>,
      %sub3A_42 = arith.subf %gather3A_40, %gather3A_41 : vector<16xf32>
      %add3A_43 = arith.constant 4 : i32
      %add3A_44 = vector.broadcast %add3A_43 : i32 to vector<16xi32>
      %add3A_45 = arith.addi %add3A_20, %add3A_44 : vector<16xi32>
      %gather3A_46 = tpu.vector_load_idx %arg5[%add3A_45] : memref<35328xf32, #tpu.memory_space<vmem>>[vector<16xi32>], vector<16xf32>,
      %gather3A_47 = tpu.vector_load_idx %arg6[%add3A_45] : memref<35328xf32, #tpu.memory_space<vmem>>[vector<16xi32>], vector<16xf32>,
      %sub3A_48 = arith.subf %gather3A_46, %gather3A_47 : vector<16xf32>
      %add3A_49 = arith.constant 5 : i32
      %add3A_50 = vector.broadcast %add3A_49 : i32 to vector<16xi32>
      %add3A_51 = arith.addi %add3A_20, %add3A_50 : vector<16xi32>
      %gather3A_52 = tpu.vector_load_idx %arg5[%add3A_51] : memref<35328xf32, #tpu.memory_space<vmem>>[vector<16xi32>], vector<16xf32>,
      %gather3A_53 = tpu.vector_load_idx %arg6[%add3A_51] : memref<35328xf32, #tpu.memory_space<vmem>>[vector<16xi32>], vector<16xf32>,
      %sub3A_54 = arith.subf %gather3A_52, %gather3A_53 : vector<16xf32>
      %add3A_55 = arith.constant 6 : i32
      %add3A_56 = vector.broadcast %add3A_55 : i32 to vector<16xi32>
      %add3A_57 = arith.addi %add3A_20, %add3A_56 : vector<16xi32>
      %gather3A_58 = tpu.vector_load_idx %arg5[%add3A_57] : memref<35328xf32, #tpu.memory_space<vmem>>[vector<16xi32>], vector<16xf32>,
      %gather3A_59 = tpu.vector_load_idx %arg6[%add3A_57] : memref<35328xf32, #tpu.memory_space<vmem>>[vector<16xi32>], vector<16xf32>,
      %sub3A_60 = arith.subf %gather3A_58, %gather3A_59 : vector<16xf32>
      %add3A_61 = arith.constant 7 : i32
      %add3A_62 = vector.broadcast %add3A_61 : i32 to vector<16xi32>
      %add3A_63 = arith.addi %add3A_20, %add3A_62 : vector<16xi32>
      %gather3A_64 = tpu.vector_load_idx %arg5[%add3A_63] : memref<35328xf32, #tpu.memory_space<vmem>>[vector<16xi32>], vector<16xf32>,
      %gather3A_65 = tpu.vector_load_idx %arg6[%add3A_63] : memref<35328xf32, #tpu.memory_space<vmem>>[vector<16xi32>], vector<16xf32>,
      %sub3A_66 = arith.subf %gather3A_64, %gather3A_65 : vector<16xf32>
      %add3A_67 = arith.constant 8 : i32
      %add3A_68 = vector.broadcast %add3A_67 : i32 to vector<16xi32>
      %add3A_69 = arith.addi %add3A_20, %add3A_68 : vector<16xi32>
      %gather3A_70 = tpu.vector_load_idx %arg5[%add3A_69] : memref<35328xf32, #tpu.memory_space<vmem>>[vector<16xi32>], vector<16xf32>,
      %gather3A_71 = tpu.vector_load_idx %arg6[%add3A_69] : memref<35328xf32, #tpu.memory_space<vmem>>[vector<16xi32>], vector<16xf32>,
      %sub3A_72 = arith.subf %gather3A_70, %gather3A_71 : vector<16xf32>
      %add3A_73 = arith.constant 9 : i32
      %add3A_74 = vector.broadcast %add3A_73 : i32 to vector<16xi32>
      %add3A_75 = arith.addi %add3A_20, %add3A_74 : vector<16xi32>
      %gather3A_76 = tpu.vector_load_idx %arg5[%add3A_75] : memref<35328xf32, #tpu.memory_space<vmem>>[vector<16xi32>], vector<16xf32>,
      %gather3A_77 = tpu.vector_load_idx %arg6[%add3A_75] : memref<35328xf32, #tpu.memory_space<vmem>>[vector<16xi32>], vector<16xf32>,
      %sub3A_78 = arith.subf %gather3A_76, %gather3A_77 : vector<16xf32>
      %add3A_79 = arith.constant 10 : i32
      %add3A_80 = vector.broadcast %add3A_79 : i32 to vector<16xi32>
      %add3A_81 = arith.addi %add3A_20, %add3A_80 : vector<16xi32>
      %gather3A_82 = tpu.vector_load_idx %arg5[%add3A_81] : memref<35328xf32, #tpu.memory_space<vmem>>[vector<16xi32>], vector<16xf32>,
      %gather3A_83 = tpu.vector_load_idx %arg6[%add3A_81] : memref<35328xf32, #tpu.memory_space<vmem>>[vector<16xi32>], vector<16xf32>,
      %sub3A_84 = arith.subf %gather3A_82, %gather3A_83 : vector<16xf32>
      %add3A_85 = arith.constant 11 : i32
      %add3A_86 = vector.broadcast %add3A_85 : i32 to vector<16xi32>
      %add3A_87 = arith.addi %add3A_20, %add3A_86 : vector<16xi32>
      %gather3A_88 = tpu.vector_load_idx %arg5[%add3A_87] : memref<35328xf32, #tpu.memory_space<vmem>>[vector<16xi32>], vector<16xf32>,
      %gather3A_89 = tpu.vector_load_idx %arg6[%add3A_87] : memref<35328xf32, #tpu.memory_space<vmem>>[vector<16xi32>], vector<16xf32>,
      %sub3A_90 = arith.subf %gather3A_88, %gather3A_89 : vector<16xf32>
      %add3A_91 = arith.constant 12 : i32
      %add3A_92 = vector.broadcast %add3A_91 : i32 to vector<16xi32>
      %add3A_93 = arith.addi %add3A_20, %add3A_92 : vector<16xi32>
      %gather3A_94 = tpu.vector_load_idx %arg5[%add3A_93] : memref<35328xf32, #tpu.memory_space<vmem>>[vector<16xi32>], vector<16xf32>,
      %gather3A_95 = tpu.vector_load_idx %arg6[%add3A_93] : memref<35328xf32, #tpu.memory_space<vmem>>[vector<16xi32>], vector<16xf32>,
      %sub3A_96 = arith.subf %gather3A_94, %gather3A_95 : vector<16xf32>
      %add3A_97 = arith.constant 13 : i32
      %add3A_98 = vector.broadcast %add3A_97 : i32 to vector<16xi32>
      %add3A_99 = arith.addi %add3A_20, %add3A_98 : vector<16xi32>
      %gather3A_100 = tpu.vector_load_idx %arg5[%add3A_99] : memref<35328xf32, #tpu.memory_space<vmem>>[vector<16xi32>], vector<16xf32>,
      %gather3A_101 = tpu.vector_load_idx %arg6[%add3A_99] : memref<35328xf32, #tpu.memory_space<vmem>>[vector<16xi32>], vector<16xf32>,
      %sub3A_102 = arith.subf %gather3A_100, %gather3A_101 : vector<16xf32>
      %add3A_103 = arith.constant 14 : i32
      %add3A_104 = vector.broadcast %add3A_103 : i32 to vector<16xi32>
      %add3A_105 = arith.addi %add3A_20, %add3A_104 : vector<16xi32>
      %gather3A_106 = tpu.vector_load_idx %arg5[%add3A_105] : memref<35328xf32, #tpu.memory_space<vmem>>[vector<16xi32>], vector<16xf32>,
      %gather3A_107 = tpu.vector_load_idx %arg6[%add3A_105] : memref<35328xf32, #tpu.memory_space<vmem>>[vector<16xi32>], vector<16xf32>,
      %sub3A_108 = arith.subf %gather3A_106, %gather3A_107 : vector<16xf32>
      %add3A_109 = arith.constant 15 : i32
      %add3A_110 = vector.broadcast %add3A_109 : i32 to vector<16xi32>
      %add3A_111 = arith.addi %add3A_20, %add3A_110 : vector<16xi32>
      %gather3A_112 = tpu.vector_load_idx %arg5[%add3A_111] : memref<35328xf32, #tpu.memory_space<vmem>>[vector<16xi32>], vector<16xf32>,
      %gather3A_113 = tpu.vector_load_idx %arg6[%add3A_111] : memref<35328xf32, #tpu.memory_space<vmem>>[vector<16xi32>], vector<16xf32>,
      %sub3A_114 = arith.subf %gather3A_112, %gather3A_113 : vector<16xf32>
      %add3A_115 = arith.constant 16 : i32
      %add3A_116 = vector.broadcast %add3A_115 : i32 to vector<16xi32>
      %add3A_117 = arith.addi %add3A_20, %add3A_116 : vector<16xi32>
      %gather3A_118 = tpu.vector_load_idx %arg5[%add3A_117] : memref<35328xf32, #tpu.memory_space<vmem>>[vector<16xi32>], vector<16xf32>,
      %gather3A_119 = tpu.vector_load_idx %arg6[%add3A_117] : memref<35328xf32, #tpu.memory_space<vmem>>[vector<16xi32>], vector<16xf32>,
      %sub3A_120 = arith.subf %gather3A_118, %gather3A_119 : vector<16xf32>
      %add3A_121 = arith.constant 17 : i32
      %add3A_122 = vector.broadcast %add3A_121 : i32 to vector<16xi32>
      %add3A_123 = arith.addi %add3A_20, %add3A_122 : vector<16xi32>
      %gather3A_124 = tpu.vector_load_idx %arg5[%add3A_123] : memref<35328xf32, #tpu.memory_space<vmem>>[vector<16xi32>], vector<16xf32>,
      %gather3A_125 = tpu.vector_load_idx %arg6[%add3A_123] : memref<35328xf32, #tpu.memory_space<vmem>>[vector<16xi32>], vector<16xf32>,
      %sub3A_126 = arith.subf %gather3A_124, %gather3A_125 : vector<16xf32>
      %add3A_127 = arith.constant 18 : i32
      %add3A_128 = vector.broadcast %add3A_127 : i32 to vector<16xi32>
      %add3A_129 = arith.addi %add3A_20, %add3A_128 : vector<16xi32>
      %gather3A_130 = tpu.vector_load_idx %arg5[%add3A_129] : memref<35328xf32, #tpu.memory_space<vmem>>[vector<16xi32>], vector<16xf32>,
      %gather3A_131 = tpu.vector_load_idx %arg6[%add3A_129] : memref<35328xf32, #tpu.memory_space<vmem>>[vector<16xi32>], vector<16xf32>,
      %sub3A_132 = arith.subf %gather3A_130, %gather3A_131 : vector<16xf32>
      %add3A_133 = arith.constant 19 : i32
      %add3A_134 = vector.broadcast %add3A_133 : i32 to vector<16xi32>
      %add3A_135 = arith.addi %add3A_20, %add3A_134 : vector<16xi32>
      %gather3A_136 = tpu.vector_load_idx %arg5[%add3A_135] : memref<35328xf32, #tpu.memory_space<vmem>>[vector<16xi32>], vector<16xf32>,
      %gather3A_137 = tpu.vector_load_idx %arg6[%add3A_135] : memref<35328xf32, #tpu.memory_space<vmem>>[vector<16xi32>], vector<16xf32>,
      %sub3A_138 = arith.subf %gather3A_136, %gather3A_137 : vector<16xf32>
      %add3A_139 = arith.constant 20 : i32
      %add3A_140 = vector.broadcast %add3A_139 : i32 to vector<16xi32>
      %add3A_141 = arith.addi %add3A_20, %add3A_140 : vector<16xi32>
      %gather3A_142 = tpu.vector_load_idx %arg5[%add3A_141] : memref<35328xf32, #tpu.memory_space<vmem>>[vector<16xi32>], vector<16xf32>,
      %gather3A_143 = tpu.vector_load_idx %arg6[%add3A_141] : memref<35328xf32, #tpu.memory_space<vmem>>[vector<16xi32>], vector<16xf32>,
      %sub3A_144 = arith.subf %gather3A_142, %gather3A_143 : vector<16xf32>
      %add3A_145 = arith.constant 21 : i32
      %add3A_146 = vector.broadcast %add3A_145 : i32 to vector<16xi32>
      %add3A_147 = arith.addi %add3A_20, %add3A_146 : vector<16xi32>
      %gather3A_148 = tpu.vector_load_idx %arg5[%add3A_147] : memref<35328xf32, #tpu.memory_space<vmem>>[vector<16xi32>], vector<16xf32>,
      %gather3A_149 = tpu.vector_load_idx %arg6[%add3A_147] : memref<35328xf32, #tpu.memory_space<vmem>>[vector<16xi32>], vector<16xf32>,
      %sub3A_150 = arith.subf %gather3A_148, %gather3A_149 : vector<16xf32>
      %add3A_151 = arith.constant 22 : i32
      %add3A_152 = vector.broadcast %add3A_151 : i32 to vector<16xi32>
      %add3A_153 = arith.addi %add3A_20, %add3A_152 : vector<16xi32>
      %gather3A_154 = tpu.vector_load_idx %arg5[%add3A_153] : memref<35328xf32, #tpu.memory_space<vmem>>[vector<16xi32>], vector<16xf32>,
      %gather3A_155 = tpu.vector_load_idx %arg6[%add3A_153] : memref<35328xf32, #tpu.memory_space<vmem>>[vector<16xi32>], vector<16xf32>,
      %sub3A_156 = arith.subf %gather3A_154, %gather3A_155 : vector<16xf32>
      %sub3A_157 = arith.subf %sub3A, %sub3A_30 : vector<16xf32>
      %mul3A_158 = arith.mulf %sub3A_157, %sub3A_157 : vector<16xf32>
      %sub3A_159 = arith.subf %sub3A_30, %sub3A_36 : vector<16xf32>
      %mul3A_160 = arith.mulf %sub3A_159, %sub3A_159 : vector<16xf32>
      %sub3A_161 = arith.subf %sub3A_36, %sub3A_42 : vector<16xf32>
      %mul3A_162 = arith.mulf %sub3A_161, %sub3A_161 : vector<16xf32>
      %sub3A_163 = arith.subf %sub3A_42, %sub3A_48 : vector<16xf32>
      %mul3A_164 = arith.mulf %sub3A_163, %sub3A_163 : vector<16xf32>
      %sub3A_165 = arith.subf %sub3A_48, %sub3A_54 : vector<16xf32>
      %mul3A_166 = arith.mulf %sub3A_165, %sub3A_165 : vector<16xf32>
      %sub3A_167 = arith.subf %sub3A_54, %sub3A_60 : vector<16xf32>
      %mul3A_168 = arith.mulf %sub3A_167, %sub3A_167 : vector<16xf32>
      %sub3A_169 = arith.subf %sub3A_60, %sub3A_66 : vector<16xf32>
      %mul3A_170 = arith.mulf %sub3A_169, %sub3A_169 : vector<16xf32>
      %sub3A_171 = arith.subf %sub3A_42, %sub3A_72 : vector<16xf32>
      %mul3A_172 = arith.mulf %sub3A_171, %sub3A_171 : vector<16xf32>
      %sub3A_173 = arith.subf %sub3A_72, %sub3A_78 : vector<16xf32>
      %mul3A_174 = arith.mulf %sub3A_173, %sub3A_173 : vector<16xf32>
      %sub3A_175 = arith.subf %sub3A_78, %sub3A_84 : vector<16xf32>
      %mul3A_176 = arith.mulf %sub3A_175, %sub3A_175 : vector<16xf32>
      %sub3A_177 = arith.subf %sub3A_84, %sub3A_90 : vector<16xf32>
      %mul3A_178 = arith.mulf %sub3A_177, %sub3A_177 : vector<16xf32>
      %sub3A_179 = arith.subf %sub3A_42, %sub3A_96 : vector<16xf32>
      %mul3A_180 = arith.mulf %sub3A_179, %sub3A_179 : vector<16xf32>
      %sub3A_181 = arith.subf %sub3A_96, %sub3A_102 : vector<16xf32>
      %mul3A_182 = arith.mulf %sub3A_181, %sub3A_181 : vector<16xf32>
      %sub3A_183 = arith.subf %sub3A_102, %sub3A_108 : vector<16xf32>
      %mul3A_184 = arith.mulf %sub3A_183, %sub3A_183 : vector<16xf32>
      %sub3A_185 = arith.subf %sub3A_108, %sub3A_114 : vector<16xf32>
      %mul3A_186 = arith.mulf %sub3A_185, %sub3A_185 : vector<16xf32>
      %sub3A_187 = arith.subf %sub3A, %sub3A_120 : vector<16xf32>
      %mul3A_188 = arith.mulf %sub3A_187, %sub3A_187 : vector<16xf32>
      %sub3A_189 = arith.subf %sub3A_120, %sub3A_126 : vector<16xf32>
      %mul3A_190 = arith.mulf %sub3A_189, %sub3A_189 : vector<16xf32>
      %sub3A_191 = arith.subf %sub3A_126, %sub3A_132 : vector<16xf32>
      %mul3A_192 = arith.mulf %sub3A_191, %sub3A_191 : vector<16xf32>
      %sub3A_193 = arith.subf %sub3A_132, %sub3A_138 : vector<16xf32>
      %mul3A_194 = arith.mulf %sub3A_193, %sub3A_193 : vector<16xf32>
      %sub3A_195 = arith.subf %sub3A, %sub3A_144 : vector<16xf32>
      %mul3A_196 = arith.mulf %sub3A_195, %sub3A_195 : vector<16xf32>
      %sub3A_197 = arith.subf %sub3A_144, %sub3A_150 : vector<16xf32>
      %mul3A_198 = arith.mulf %sub3A_197, %sub3A_197 : vector<16xf32>
      %sub3A_199 = arith.subf %sub3A_150, %sub3A_156 : vector<16xf32>
      %mul3A_200 = arith.mulf %sub3A_199, %sub3A_199 : vector<16xf32>
      %add3A_201 = arith.constant 23 : i32
      %add3A_202 = vector.broadcast %add3A_201 : i32 to vector<16xi32>
      %add3A_203 = arith.addi %add3A_20, %add3A_202 : vector<16xi32>
      %gather3A_204 = tpu.vector_load_idx %arg5[%add3A_203] : memref<35328xf32, #tpu.memory_space<vmem>>[vector<16xi32>], vector<16xf32>,
      %gather3A_205 = tpu.vector_load_idx %arg6[%add3A_203] : memref<35328xf32, #tpu.memory_space<vmem>>[vector<16xi32>], vector<16xf32>,
      %sub3A_206 = arith.subf %gather3A_204, %gather3A_205 : vector<16xf32>
      %add3A_207 = arith.constant 24 : i32
      %add3A_208 = vector.broadcast %add3A_207 : i32 to vector<16xi32>
      %add3A_209 = arith.addi %add3A_20, %add3A_208 : vector<16xi32>
      %gather3A_210 = tpu.vector_load_idx %arg5[%add3A_209] : memref<35328xf32, #tpu.memory_space<vmem>>[vector<16xi32>], vector<16xf32>,
      %gather3A_211 = tpu.vector_load_idx %arg6[%add3A_209] : memref<35328xf32, #tpu.memory_space<vmem>>[vector<16xi32>], vector<16xf32>,
      %sub3A_212 = arith.subf %gather3A_210, %gather3A_211 : vector<16xf32>
      %add3A_213 = arith.constant 25 : i32
      %add3A_214 = vector.broadcast %add3A_213 : i32 to vector<16xi32>
      %add3A_215 = arith.addi %add3A_20, %add3A_214 : vector<16xi32>
      %gather3A_216 = tpu.vector_load_idx %arg5[%add3A_215] : memref<35328xf32, #tpu.memory_space<vmem>>[vector<16xi32>], vector<16xf32>,
      %gather3A_217 = tpu.vector_load_idx %arg6[%add3A_215] : memref<35328xf32, #tpu.memory_space<vmem>>[vector<16xi32>], vector<16xf32>,
      %sub3A_218 = arith.subf %gather3A_216, %gather3A_217 : vector<16xf32>
      %add3A_219 = arith.constant 26 : i32
      %add3A_220 = vector.broadcast %add3A_219 : i32 to vector<16xi32>
      %add3A_221 = arith.addi %add3A_20, %add3A_220 : vector<16xi32>
      %gather3A_222 = tpu.vector_load_idx %arg5[%add3A_221] : memref<35328xf32, #tpu.memory_space<vmem>>[vector<16xi32>], vector<16xf32>,
      %gather3A_223 = tpu.vector_load_idx %arg6[%add3A_221] : memref<35328xf32, #tpu.memory_space<vmem>>[vector<16xi32>], vector<16xf32>,
      %sub3A_224 = arith.subf %gather3A_222, %gather3A_223 : vector<16xf32>
      %add3A_225 = arith.constant 27 : i32
      %add3A_226 = vector.broadcast %add3A_225 : i32 to vector<16xi32>
      %add3A_227 = arith.addi %add3A_20, %add3A_226 : vector<16xi32>
      %gather3A_228 = tpu.vector_load_idx %arg5[%add3A_227] : memref<35328xf32, #tpu.memory_space<vmem>>[vector<16xi32>], vector<16xf32>,
      %gather3A_229 = tpu.vector_load_idx %arg6[%add3A_227] : memref<35328xf32, #tpu.memory_space<vmem>>[vector<16xi32>], vector<16xf32>,
      %sub3A_230 = arith.subf %gather3A_228, %gather3A_229 : vector<16xf32>
      %add3A_231 = arith.constant 28 : i32
      %add3A_232 = vector.broadcast %add3A_231 : i32 to vector<16xi32>
      %add3A_233 = arith.addi %add3A_20, %add3A_232 : vector<16xi32>
      %gather3A_234 = tpu.vector_load_idx %arg5[%add3A_233] : memref<35328xf32, #tpu.memory_space<vmem>>[vector<16xi32>], vector<16xf32>,
      %gather3A_235 = tpu.vector_load_idx %arg6[%add3A_233] : memref<35328xf32, #tpu.memory_space<vmem>>[vector<16xi32>], vector<16xf32>,
      %sub3A_236 = arith.subf %gather3A_234, %gather3A_235 : vector<16xf32>
      %add3A_237 = arith.constant 29 : i32
      %add3A_238 = vector.broadcast %add3A_237 : i32 to vector<16xi32>
      %add3A_239 = arith.addi %add3A_20, %add3A_238 : vector<16xi32>
      %gather3A_240 = tpu.vector_load_idx %arg5[%add3A_239] : memref<35328xf32, #tpu.memory_space<vmem>>[vector<16xi32>], vector<16xf32>,
      %gather3A_241 = tpu.vector_load_idx %arg6[%add3A_239] : memref<35328xf32, #tpu.memory_space<vmem>>[vector<16xi32>], vector<16xf32>,
      %sub3A_242 = arith.subf %gather3A_240, %gather3A_241 : vector<16xf32>
      %add3A_243 = arith.constant 30 : i32
      %add3A_244 = vector.broadcast %add3A_243 : i32 to vector<16xi32>
      %add3A_245 = arith.addi %add3A_20, %add3A_244 : vector<16xi32>
      %gather3A_246 = tpu.vector_load_idx %arg5[%add3A_245] : memref<35328xf32, #tpu.memory_space<vmem>>[vector<16xi32>], vector<16xf32>,
      %gather3A_247 = tpu.vector_load_idx %arg6[%add3A_245] : memref<35328xf32, #tpu.memory_space<vmem>>[vector<16xi32>], vector<16xf32>,
      %sub3A_248 = arith.subf %gather3A_246, %gather3A_247 : vector<16xf32>
      %add3A_249 = arith.constant 31 : i32
      %add3A_250 = vector.broadcast %add3A_249 : i32 to vector<16xi32>
      %add3A_251 = arith.addi %add3A_20, %add3A_250 : vector<16xi32>
      %gather3A_252 = tpu.vector_load_idx %arg5[%add3A_251] : memref<35328xf32, #tpu.memory_space<vmem>>[vector<16xi32>], vector<16xf32>,
      %gather3A_253 = tpu.vector_load_idx %arg6[%add3A_251] : memref<35328xf32, #tpu.memory_space<vmem>>[vector<16xi32>], vector<16xf32>,
      %sub3A_254 = arith.subf %gather3A_252, %gather3A_253 : vector<16xf32>
      %add3A_255 = arith.constant 32 : i32
      %add3A_256 = vector.broadcast %add3A_255 : i32 to vector<16xi32>
      %add3A_257 = arith.addi %add3A_20, %add3A_256 : vector<16xi32>
      %gather3A_258 = tpu.vector_load_idx %arg5[%add3A_257] : memref<35328xf32, #tpu.memory_space<vmem>>[vector<16xi32>], vector<16xf32>,
      %gather3A_259 = tpu.vector_load_idx %arg6[%add3A_257] : memref<35328xf32, #tpu.memory_space<vmem>>[vector<16xi32>], vector<16xf32>,
      %sub3A_260 = arith.subf %gather3A_258, %gather3A_259 : vector<16xf32>
      %add3A_261 = arith.constant 33 : i32
      %add3A_262 = vector.broadcast %add3A_261 : i32 to vector<16xi32>
      %add3A_263 = arith.addi %add3A_20, %add3A_262 : vector<16xi32>
      %gather3A_264 = tpu.vector_load_idx %arg5[%add3A_263] : memref<35328xf32, #tpu.memory_space<vmem>>[vector<16xi32>], vector<16xf32>,
      %gather3A_265 = tpu.vector_load_idx %arg6[%add3A_263] : memref<35328xf32, #tpu.memory_space<vmem>>[vector<16xi32>], vector<16xf32>,
      %sub3A_266 = arith.subf %gather3A_264, %gather3A_265 : vector<16xf32>
      %add3A_267 = arith.constant 34 : i32
      %add3A_268 = vector.broadcast %add3A_267 : i32 to vector<16xi32>
      %add3A_269 = arith.addi %add3A_20, %add3A_268 : vector<16xi32>
      %gather3A_270 = tpu.vector_load_idx %arg5[%add3A_269] : memref<35328xf32, #tpu.memory_space<vmem>>[vector<16xi32>], vector<16xf32>,
      %gather3A_271 = tpu.vector_load_idx %arg6[%add3A_269] : memref<35328xf32, #tpu.memory_space<vmem>>[vector<16xi32>], vector<16xf32>,
      %sub3A_272 = arith.subf %gather3A_270, %gather3A_271 : vector<16xf32>
      %add3A_273 = arith.constant 35 : i32
      %add3A_274 = vector.broadcast %add3A_273 : i32 to vector<16xi32>
      %add3A_275 = arith.addi %add3A_20, %add3A_274 : vector<16xi32>
      %gather3A_276 = tpu.vector_load_idx %arg5[%add3A_275] : memref<35328xf32, #tpu.memory_space<vmem>>[vector<16xi32>], vector<16xf32>,
      %gather3A_277 = tpu.vector_load_idx %arg6[%add3A_275] : memref<35328xf32, #tpu.memory_space<vmem>>[vector<16xi32>], vector<16xf32>,
      %sub3A_278 = arith.subf %gather3A_276, %gather3A_277 : vector<16xf32>
      %add3A_279 = arith.constant 36 : i32
      %add3A_280 = vector.broadcast %add3A_279 : i32 to vector<16xi32>
      %add3A_281 = arith.addi %add3A_20, %add3A_280 : vector<16xi32>
      %gather3A_282 = tpu.vector_load_idx %arg5[%add3A_281] : memref<35328xf32, #tpu.memory_space<vmem>>[vector<16xi32>], vector<16xf32>,
      %gather3A_283 = tpu.vector_load_idx %arg6[%add3A_281] : memref<35328xf32, #tpu.memory_space<vmem>>[vector<16xi32>], vector<16xf32>,
      %sub3A_284 = arith.subf %gather3A_282, %gather3A_283 : vector<16xf32>
      %add3A_285 = arith.constant 37 : i32
      %add3A_286 = vector.broadcast %add3A_285 : i32 to vector<16xi32>
      %add3A_287 = arith.addi %add3A_20, %add3A_286 : vector<16xi32>
      %gather3A_288 = tpu.vector_load_idx %arg5[%add3A_287] : memref<35328xf32, #tpu.memory_space<vmem>>[vector<16xi32>], vector<16xf32>,
      %gather3A_289 = tpu.vector_load_idx %arg6[%add3A_287] : memref<35328xf32, #tpu.memory_space<vmem>>[vector<16xi32>], vector<16xf32>,
      %sub3A_290 = arith.subf %gather3A_288, %gather3A_289 : vector<16xf32>
      %add3A_291 = arith.constant 38 : i32
      %add3A_292 = vector.broadcast %add3A_291 : i32 to vector<16xi32>
      %add3A_293 = arith.addi %add3A_20, %add3A_292 : vector<16xi32>
      %gather3A_294 = tpu.vector_load_idx %arg5[%add3A_293] : memref<35328xf32, #tpu.memory_space<vmem>>[vector<16xi32>], vector<16xf32>,
      %gather3A_295 = tpu.vector_load_idx %arg6[%add3A_293] : memref<35328xf32, #tpu.memory_space<vmem>>[vector<16xi32>], vector<16xf32>,
      %sub3A_296 = arith.subf %gather3A_294, %gather3A_295 : vector<16xf32>
      %add3A_297 = arith.constant 39 : i32
      %add3A_298 = vector.broadcast %add3A_297 : i32 to vector<16xi32>
      %add3A_299 = arith.addi %add3A_20, %add3A_298 : vector<16xi32>
      %gather3A_300 = tpu.vector_load_idx %arg5[%add3A_299] : memref<35328xf32, #tpu.memory_space<vmem>>[vector<16xi32>], vector<16xf32>,
      %gather3A_301 = tpu.vector_load_idx %arg6[%add3A_299] : memref<35328xf32, #tpu.memory_space<vmem>>[vector<16xi32>], vector<16xf32>,
      %sub3A_302 = arith.subf %gather3A_300, %gather3A_301 : vector<16xf32>
      %add3A_303 = arith.constant 40 : i32
      %add3A_304 = vector.broadcast %add3A_303 : i32 to vector<16xi32>
      %add3A_305 = arith.addi %add3A_20, %add3A_304 : vector<16xi32>
      %gather3A_306 = tpu.vector_load_idx %arg5[%add3A_305] : memref<35328xf32, #tpu.memory_space<vmem>>[vector<16xi32>], vector<16xf32>,
      %gather3A_307 = tpu.vector_load_idx %arg6[%add3A_305] : memref<35328xf32, #tpu.memory_space<vmem>>[vector<16xi32>], vector<16xf32>,
      %sub3A_308 = arith.subf %gather3A_306, %gather3A_307 : vector<16xf32>
      %add3A_309 = arith.constant 41 : i32
      %add3A_310 = vector.broadcast %add3A_309 : i32 to vector<16xi32>
      %add3A_311 = arith.addi %add3A_20, %add3A_310 : vector<16xi32>
      %gather3A_312 = tpu.vector_load_idx %arg5[%add3A_311] : memref<35328xf32, #tpu.memory_space<vmem>>[vector<16xi32>], vector<16xf32>,
      %gather3A_313 = tpu.vector_load_idx %arg6[%add3A_311] : memref<35328xf32, #tpu.memory_space<vmem>>[vector<16xi32>], vector<16xf32>,
      %sub3A_314 = arith.subf %gather3A_312, %gather3A_313 : vector<16xf32>
      %add3A_315 = arith.constant 42 : i32
      %add3A_316 = vector.broadcast %add3A_315 : i32 to vector<16xi32>
      %add3A_317 = arith.addi %add3A_20, %add3A_316 : vector<16xi32>
      %gather3A_318 = tpu.vector_load_idx %arg5[%add3A_317] : memref<35328xf32, #tpu.memory_space<vmem>>[vector<16xi32>], vector<16xf32>,
      %gather3A_319 = tpu.vector_load_idx %arg6[%add3A_317] : memref<35328xf32, #tpu.memory_space<vmem>>[vector<16xi32>], vector<16xf32>,
      %sub3A_320 = arith.subf %gather3A_318, %gather3A_319 : vector<16xf32>
      %add3A_321 = arith.constant 43 : i32
      %add3A_322 = vector.broadcast %add3A_321 : i32 to vector<16xi32>
      %add3A_323 = arith.addi %add3A_20, %add3A_322 : vector<16xi32>
      %gather3A_324 = tpu.vector_load_idx %arg5[%add3A_323] : memref<35328xf32, #tpu.memory_space<vmem>>[vector<16xi32>], vector<16xf32>,
      %gather3A_325 = tpu.vector_load_idx %arg6[%add3A_323] : memref<35328xf32, #tpu.memory_space<vmem>>[vector<16xi32>], vector<16xf32>,
      %sub3A_326 = arith.subf %gather3A_324, %gather3A_325 : vector<16xf32>
      %add3A_327 = arith.constant 44 : i32
      %add3A_328 = vector.broadcast %add3A_327 : i32 to vector<16xi32>
      %add3A_329 = arith.addi %add3A_20, %add3A_328 : vector<16xi32>
      %gather3A_330 = tpu.vector_load_idx %arg5[%add3A_329] : memref<35328xf32, #tpu.memory_space<vmem>>[vector<16xi32>], vector<16xf32>,
      %gather3A_331 = tpu.vector_load_idx %arg6[%add3A_329] : memref<35328xf32, #tpu.memory_space<vmem>>[vector<16xi32>], vector<16xf32>,
      %sub3A_332 = arith.subf %gather3A_330, %gather3A_331 : vector<16xf32>
      %add3A_333 = arith.constant 45 : i32
      %add3A_334 = vector.broadcast %add3A_333 : i32 to vector<16xi32>
      %add3A_335 = arith.addi %add3A_20, %add3A_334 : vector<16xi32>
      %gather3A_336 = tpu.vector_load_idx %arg5[%add3A_335] : memref<35328xf32, #tpu.memory_space<vmem>>[vector<16xi32>], vector<16xf32>,
      %gather3A_337 = tpu.vector_load_idx %arg6[%add3A_335] : memref<35328xf32, #tpu.memory_space<vmem>>[vector<16xi32>], vector<16xf32>,
      %sub3A_338 = arith.subf %gather3A_336, %gather3A_337 : vector<16xf32>
      %sub3A_339 = arith.subf %sub3A_206, %sub3A_212 : vector<16xf32>
      %mul3A_340 = arith.mulf %sub3A_339, %sub3A_339 : vector<16xf32>
      %add3A_341 = arith.addf %mul3A_158, %mul3A_340 : vector<16xf32>
      %sub3A_342 = arith.subf %sub3A_212, %sub3A_218 : vector<16xf32>
      %mul3A_343 = arith.mulf %sub3A_342, %sub3A_342 : vector<16xf32>
      %add3A_344 = arith.addf %mul3A_160, %mul3A_343 : vector<16xf32>
      %sub3A_345 = arith.subf %sub3A_218, %sub3A_224 : vector<16xf32>
      %mul3A_346 = arith.mulf %sub3A_345, %sub3A_345 : vector<16xf32>
      %add3A_347 = arith.addf %mul3A_162, %mul3A_346 : vector<16xf32>
      %sub3A_348 = arith.subf %sub3A_224, %sub3A_230 : vector<16xf32>
      %mul3A_349 = arith.mulf %sub3A_348, %sub3A_348 : vector<16xf32>
      %add3A_350 = arith.addf %mul3A_164, %mul3A_349 : vector<16xf32>
      %sub3A_351 = arith.subf %sub3A_230, %sub3A_236 : vector<16xf32>
      %mul3A_352 = arith.mulf %sub3A_351, %sub3A_351 : vector<16xf32>
      %add3A_353 = arith.addf %mul3A_166, %mul3A_352 : vector<16xf32>
      %sub3A_354 = arith.subf %sub3A_236, %sub3A_242 : vector<16xf32>
      %mul3A_355 = arith.mulf %sub3A_354, %sub3A_354 : vector<16xf32>
      %add3A_356 = arith.addf %mul3A_168, %mul3A_355 : vector<16xf32>
      %sub3A_357 = arith.subf %sub3A_242, %sub3A_248 : vector<16xf32>
      %mul3A_358 = arith.mulf %sub3A_357, %sub3A_357 : vector<16xf32>
      %add3A_359 = arith.addf %mul3A_170, %mul3A_358 : vector<16xf32>
      %sub3A_360 = arith.subf %sub3A_224, %sub3A_254 : vector<16xf32>
      %mul3A_361 = arith.mulf %sub3A_360, %sub3A_360 : vector<16xf32>
      %add3A_362 = arith.addf %mul3A_172, %mul3A_361 : vector<16xf32>
      %sub3A_363 = arith.subf %sub3A_254, %sub3A_260 : vector<16xf32>
      %mul3A_364 = arith.mulf %sub3A_363, %sub3A_363 : vector<16xf32>
      %add3A_365 = arith.addf %mul3A_174, %mul3A_364 : vector<16xf32>
      %sub3A_366 = arith.subf %sub3A_260, %sub3A_266 : vector<16xf32>
      %mul3A_367 = arith.mulf %sub3A_366, %sub3A_366 : vector<16xf32>
      %add3A_368 = arith.addf %mul3A_176, %mul3A_367 : vector<16xf32>
      %sub3A_369 = arith.subf %sub3A_266, %sub3A_272 : vector<16xf32>
      %mul3A_370 = arith.mulf %sub3A_369, %sub3A_369 : vector<16xf32>
      %add3A_371 = arith.addf %mul3A_178, %mul3A_370 : vector<16xf32>
      %sub3A_372 = arith.subf %sub3A_224, %sub3A_278 : vector<16xf32>
      %mul3A_373 = arith.mulf %sub3A_372, %sub3A_372 : vector<16xf32>
      %add3A_374 = arith.addf %mul3A_180, %mul3A_373 : vector<16xf32>
      %sub3A_375 = arith.subf %sub3A_278, %sub3A_284 : vector<16xf32>
      %mul3A_376 = arith.mulf %sub3A_375, %sub3A_375 : vector<16xf32>
      %add3A_377 = arith.addf %mul3A_182, %mul3A_376 : vector<16xf32>
      %sub3A_378 = arith.subf %sub3A_284, %sub3A_290 : vector<16xf32>
      %mul3A_379 = arith.mulf %sub3A_378, %sub3A_378 : vector<16xf32>
      %add3A_380 = arith.addf %mul3A_184, %mul3A_379 : vector<16xf32>
      %sub3A_381 = arith.subf %sub3A_290, %sub3A_296 : vector<16xf32>
      %mul3A_382 = arith.mulf %sub3A_381, %sub3A_381 : vector<16xf32>
      %add3A_383 = arith.addf %mul3A_186, %mul3A_382 : vector<16xf32>
      %sub3A_384 = arith.subf %sub3A_206, %sub3A_302 : vector<16xf32>
      %mul3A_385 = arith.mulf %sub3A_384, %sub3A_384 : vector<16xf32>
      %add3A_386 = arith.addf %mul3A_188, %mul3A_385 : vector<16xf32>
      %sub3A_387 = arith.subf %sub3A_302, %sub3A_308 : vector<16xf32>
      %mul3A_388 = arith.mulf %sub3A_387, %sub3A_387 : vector<16xf32>
      %add3A_389 = arith.addf %mul3A_190, %mul3A_388 : vector<16xf32>
      %sub3A_390 = arith.subf %sub3A_308, %sub3A_314 : vector<16xf32>
      %mul3A_391 = arith.mulf %sub3A_390, %sub3A_390 : vector<16xf32>
      %add3A_392 = arith.addf %mul3A_192, %mul3A_391 : vector<16xf32>
      %sub3A_393 = arith.subf %sub3A_314, %sub3A_320 : vector<16xf32>
      %mul3A_394 = arith.mulf %sub3A_393, %sub3A_393 : vector<16xf32>
      %add3A_395 = arith.addf %mul3A_194, %mul3A_394 : vector<16xf32>
      %sub3A_396 = arith.subf %sub3A_206, %sub3A_326 : vector<16xf32>
      %mul3A_397 = arith.mulf %sub3A_396, %sub3A_396 : vector<16xf32>
      %add3A_398 = arith.addf %mul3A_196, %mul3A_397 : vector<16xf32>
      %sub3A_399 = arith.subf %sub3A_326, %sub3A_332 : vector<16xf32>
      %mul3A_400 = arith.mulf %sub3A_399, %sub3A_399 : vector<16xf32>
      %add3A_401 = arith.addf %mul3A_198, %mul3A_400 : vector<16xf32>
      %sub3A_402 = arith.subf %sub3A_332, %sub3A_338 : vector<16xf32>
      %mul3A_403 = arith.mulf %sub3A_402, %sub3A_402 : vector<16xf32>
      %add3A_404 = arith.addf %mul3A_200, %mul3A_403 : vector<16xf32>
      %add3A_405 = arith.constant 46 : i32
      %add3A_406 = vector.broadcast %add3A_405 : i32 to vector<16xi32>
      %add3A_407 = arith.addi %add3A_20, %add3A_406 : vector<16xi32>
      %gather3A_408 = tpu.vector_load_idx %arg5[%add3A_407] : memref<35328xf32, #tpu.memory_space<vmem>>[vector<16xi32>], vector<16xf32>,
      %gather3A_409 = tpu.vector_load_idx %arg6[%add3A_407] : memref<35328xf32, #tpu.memory_space<vmem>>[vector<16xi32>], vector<16xf32>,
      %sub3A_410 = arith.subf %gather3A_408, %gather3A_409 : vector<16xf32>
      %add3A_411 = arith.constant 47 : i32
      %add3A_412 = vector.broadcast %add3A_411 : i32 to vector<16xi32>
      %add3A_413 = arith.addi %add3A_20, %add3A_412 : vector<16xi32>
      %gather3A_414 = tpu.vector_load_idx %arg5[%add3A_413] : memref<35328xf32, #tpu.memory_space<vmem>>[vector<16xi32>], vector<16xf32>,
      %gather3A_415 = tpu.vector_load_idx %arg6[%add3A_413] : memref<35328xf32, #tpu.memory_space<vmem>>[vector<16xi32>], vector<16xf32>,
      %sub3A_416 = arith.subf %gather3A_414, %gather3A_415 : vector<16xf32>
      %add3A_417 = arith.constant 48 : i32
      %add3A_418 = vector.broadcast %add3A_417 : i32 to vector<16xi32>
      %add3A_419 = arith.addi %add3A_20, %add3A_418 : vector<16xi32>
      %gather3A_420 = tpu.vector_load_idx %arg5[%add3A_419] : memref<35328xf32, #tpu.memory_space<vmem>>[vector<16xi32>], vector<16xf32>,
      %gather3A_421 = tpu.vector_load_idx %arg6[%add3A_419] : memref<35328xf32, #tpu.memory_space<vmem>>[vector<16xi32>], vector<16xf32>,
      %sub3A_422 = arith.subf %gather3A_420, %gather3A_421 : vector<16xf32>
      %add3A_423 = arith.constant 49 : i32
      %add3A_424 = vector.broadcast %add3A_423 : i32 to vector<16xi32>
      %add3A_425 = arith.addi %add3A_20, %add3A_424 : vector<16xi32>
      %gather3A_426 = tpu.vector_load_idx %arg5[%add3A_425] : memref<35328xf32, #tpu.memory_space<vmem>>[vector<16xi32>], vector<16xf32>,
      %gather3A_427 = tpu.vector_load_idx %arg6[%add3A_425] : memref<35328xf32, #tpu.memory_space<vmem>>[vector<16xi32>], vector<16xf32>,
      %sub3A_428 = arith.subf %gather3A_426, %gather3A_427 : vector<16xf32>
      %add3A_429 = arith.constant 50 : i32
      %add3A_430 = vector.broadcast %add3A_429 : i32 to vector<16xi32>
      %add3A_431 = arith.addi %add3A_20, %add3A_430 : vector<16xi32>
      %gather3A_432 = tpu.vector_load_idx %arg5[%add3A_431] : memref<35328xf32, #tpu.memory_space<vmem>>[vector<16xi32>], vector<16xf32>,
      %gather3A_433 = tpu.vector_load_idx %arg6[%add3A_431] : memref<35328xf32, #tpu.memory_space<vmem>>[vector<16xi32>], vector<16xf32>,
      %sub3A_434 = arith.subf %gather3A_432, %gather3A_433 : vector<16xf32>
      %add3A_435 = arith.constant 51 : i32
      %add3A_436 = vector.broadcast %add3A_435 : i32 to vector<16xi32>
      %add3A_437 = arith.addi %add3A_20, %add3A_436 : vector<16xi32>
      %gather3A_438 = tpu.vector_load_idx %arg5[%add3A_437] : memref<35328xf32, #tpu.memory_space<vmem>>[vector<16xi32>], vector<16xf32>,
      %gather3A_439 = tpu.vector_load_idx %arg6[%add3A_437] : memref<35328xf32, #tpu.memory_space<vmem>>[vector<16xi32>], vector<16xf32>,
      %sub3A_440 = arith.subf %gather3A_438, %gather3A_439 : vector<16xf32>
      %add3A_441 = arith.constant 52 : i32
      %add3A_442 = vector.broadcast %add3A_441 : i32 to vector<16xi32>
      %add3A_443 = arith.addi %add3A_20, %add3A_442 : vector<16xi32>
      %gather3A_444 = tpu.vector_load_idx %arg5[%add3A_443] : memref<35328xf32, #tpu.memory_space<vmem>>[vector<16xi32>], vector<16xf32>,
      %gather3A_445 = tpu.vector_load_idx %arg6[%add3A_443] : memref<35328xf32, #tpu.memory_space<vmem>>[vector<16xi32>], vector<16xf32>,
      %sub3A_446 = arith.subf %gather3A_444, %gather3A_445 : vector<16xf32>
      %add3A_447 = arith.constant 53 : i32
      %add3A_448 = vector.broadcast %add3A_447 : i32 to vector<16xi32>
      %add3A_449 = arith.addi %add3A_20, %add3A_448 : vector<16xi32>
      %gather3A_450 = tpu.vector_load_idx %arg5[%add3A_449] : memref<35328xf32, #tpu.memory_space<vmem>>[vector<16xi32>], vector<16xf32>,
      %gather3A_451 = tpu.vector_load_idx %arg6[%add3A_449] : memref<35328xf32, #tpu.memory_space<vmem>>[vector<16xi32>], vector<16xf32>,
      %sub3A_452 = arith.subf %gather3A_450, %gather3A_451 : vector<16xf32>
      %add3A_453 = arith.constant 54 : i32
      %add3A_454 = vector.broadcast %add3A_453 : i32 to vector<16xi32>
      %add3A_455 = arith.addi %add3A_20, %add3A_454 : vector<16xi32>
      %gather3A_456 = tpu.vector_load_idx %arg5[%add3A_455] : memref<35328xf32, #tpu.memory_space<vmem>>[vector<16xi32>], vector<16xf32>,
      %gather3A_457 = tpu.vector_load_idx %arg6[%add3A_455] : memref<35328xf32, #tpu.memory_space<vmem>>[vector<16xi32>], vector<16xf32>,
      %sub3A_458 = arith.subf %gather3A_456, %gather3A_457 : vector<16xf32>
      %add3A_459 = arith.constant 55 : i32
      %add3A_460 = vector.broadcast %add3A_459 : i32 to vector<16xi32>
      %add3A_461 = arith.addi %add3A_20, %add3A_460 : vector<16xi32>
      %gather3A_462 = tpu.vector_load_idx %arg5[%add3A_461] : memref<35328xf32, #tpu.memory_space<vmem>>[vector<16xi32>], vector<16xf32>,
      %gather3A_463 = tpu.vector_load_idx %arg6[%add3A_461] : memref<35328xf32, #tpu.memory_space<vmem>>[vector<16xi32>], vector<16xf32>,
      %sub3A_464 = arith.subf %gather3A_462, %gather3A_463 : vector<16xf32>
      %add3A_465 = arith.constant 56 : i32
      %add3A_466 = vector.broadcast %add3A_465 : i32 to vector<16xi32>
      %add3A_467 = arith.addi %add3A_20, %add3A_466 : vector<16xi32>
      %gather3A_468 = tpu.vector_load_idx %arg5[%add3A_467] : memref<35328xf32, #tpu.memory_space<vmem>>[vector<16xi32>], vector<16xf32>,
      %gather3A_469 = tpu.vector_load_idx %arg6[%add3A_467] : memref<35328xf32, #tpu.memory_space<vmem>>[vector<16xi32>], vector<16xf32>,
      %sub3A_470 = arith.subf %gather3A_468, %gather3A_469 : vector<16xf32>
      %add3A_471 = arith.constant 57 : i32
      %add3A_472 = vector.broadcast %add3A_471 : i32 to vector<16xi32>
      %add3A_473 = arith.addi %add3A_20, %add3A_472 : vector<16xi32>
      %gather3A_474 = tpu.vector_load_idx %arg5[%add3A_473] : memref<35328xf32, #tpu.memory_space<vmem>>[vector<16xi32>], vector<16xf32>,
      %gather3A_475 = tpu.vector_load_idx %arg6[%add3A_473] : memref<35328xf32, #tpu.memory_space<vmem>>[vector<16xi32>], vector<16xf32>,
      %sub3A_476 = arith.subf %gather3A_474, %gather3A_475 : vector<16xf32>
      %add3A_477 = arith.constant 58 : i32
      %add3A_478 = vector.broadcast %add3A_477 : i32 to vector<16xi32>
      %add3A_479 = arith.addi %add3A_20, %add3A_478 : vector<16xi32>
      %gather3A_480 = tpu.vector_load_idx %arg5[%add3A_479] : memref<35328xf32, #tpu.memory_space<vmem>>[vector<16xi32>], vector<16xf32>,
      %gather3A_481 = tpu.vector_load_idx %arg6[%add3A_479] : memref<35328xf32, #tpu.memory_space<vmem>>[vector<16xi32>], vector<16xf32>,
      %sub3A_482 = arith.subf %gather3A_480, %gather3A_481 : vector<16xf32>
      %add3A_483 = arith.constant 59 : i32
      %add3A_484 = vector.broadcast %add3A_483 : i32 to vector<16xi32>
      %add3A_485 = arith.addi %add3A_20, %add3A_484 : vector<16xi32>
      %gather3A_486 = tpu.vector_load_idx %arg5[%add3A_485] : memref<35328xf32, #tpu.memory_space<vmem>>[vector<16xi32>], vector<16xf32>,
      %gather3A_487 = tpu.vector_load_idx %arg6[%add3A_485] : memref<35328xf32, #tpu.memory_space<vmem>>[vector<16xi32>], vector<16xf32>,
      %sub3A_488 = arith.subf %gather3A_486, %gather3A_487 : vector<16xf32>
      %add3A_489 = arith.constant 60 : i32
      %add3A_490 = vector.broadcast %add3A_489 : i32 to vector<16xi32>
      %add3A_491 = arith.addi %add3A_20, %add3A_490 : vector<16xi32>
      %gather3A_492 = tpu.vector_load_idx %arg5[%add3A_491] : memref<35328xf32, #tpu.memory_space<vmem>>[vector<16xi32>], vector<16xf32>,
      %gather3A_493 = tpu.vector_load_idx %arg6[%add3A_491] : memref<35328xf32, #tpu.memory_space<vmem>>[vector<16xi32>], vector<16xf32>,
      %sub3A_494 = arith.subf %gather3A_492, %gather3A_493 : vector<16xf32>
      %add3A_495 = arith.constant 61 : i32
      %add3A_496 = vector.broadcast %add3A_495 : i32 to vector<16xi32>
      %add3A_497 = arith.addi %add3A_20, %add3A_496 : vector<16xi32>
      %gather3A_498 = tpu.vector_load_idx %arg5[%add3A_497] : memref<35328xf32, #tpu.memory_space<vmem>>[vector<16xi32>], vector<16xf32>,
      %gather3A_499 = tpu.vector_load_idx %arg6[%add3A_497] : memref<35328xf32, #tpu.memory_space<vmem>>[vector<16xi32>], vector<16xf32>,
      %sub3A_500 = arith.subf %gather3A_498, %gather3A_499 : vector<16xf32>
      %add3A_501 = arith.constant 62 : i32
      %add3A_502 = vector.broadcast %add3A_501 : i32 to vector<16xi32>
      %add3A_503 = arith.addi %add3A_20, %add3A_502 : vector<16xi32>
      %gather3A_504 = tpu.vector_load_idx %arg5[%add3A_503] : memref<35328xf32, #tpu.memory_space<vmem>>[vector<16xi32>], vector<16xf32>,
      %gather3A_505 = tpu.vector_load_idx %arg6[%add3A_503] : memref<35328xf32, #tpu.memory_space<vmem>>[vector<16xi32>], vector<16xf32>,
      %sub3A_506 = arith.subf %gather3A_504, %gather3A_505 : vector<16xf32>
      %add3A_507 = arith.constant 63 : i32
      %add3A_508 = vector.broadcast %add3A_507 : i32 to vector<16xi32>
      %add3A_509 = arith.addi %add3A_20, %add3A_508 : vector<16xi32>
      %gather3A_510 = tpu.vector_load_idx %arg5[%add3A_509] : memref<35328xf32, #tpu.memory_space<vmem>>[vector<16xi32>], vector<16xf32>,
      %gather3A_511 = tpu.vector_load_idx %arg6[%add3A_509] : memref<35328xf32, #tpu.memory_space<vmem>>[vector<16xi32>], vector<16xf32>,
      %sub3A_512 = arith.subf %gather3A_510, %gather3A_511 : vector<16xf32>
      %add3A_513 = arith.constant 64 : i32
      %add3A_514 = vector.broadcast %add3A_513 : i32 to vector<16xi32>
      %add3A_515 = arith.addi %add3A_20, %add3A_514 : vector<16xi32>
      %gather3A_516 = tpu.vector_load_idx %arg5[%add3A_515] : memref<35328xf32, #tpu.memory_space<vmem>>[vector<16xi32>], vector<16xf32>,
      %gather3A_517 = tpu.vector_load_idx %arg6[%add3A_515] : memref<35328xf32, #tpu.memory_space<vmem>>[vector<16xi32>], vector<16xf32>,
      %sub3A_518 = arith.subf %gather3A_516, %gather3A_517 : vector<16xf32>
      %add3A_519 = arith.constant 65 : i32
      %add3A_520 = vector.broadcast %add3A_519 : i32 to vector<16xi32>
      %add3A_521 = arith.addi %add3A_20, %add3A_520 : vector<16xi32>
      %gather3A_522 = tpu.vector_load_idx %arg5[%add3A_521] : memref<35328xf32, #tpu.memory_space<vmem>>[vector<16xi32>], vector<16xf32>,
      %gather3A_523 = tpu.vector_load_idx %arg6[%add3A_521] : memref<35328xf32, #tpu.memory_space<vmem>>[vector<16xi32>], vector<16xf32>,
      %sub3A_524 = arith.subf %gather3A_522, %gather3A_523 : vector<16xf32>
      %add3A_525 = arith.constant 66 : i32
      %add3A_526 = vector.broadcast %add3A_525 : i32 to vector<16xi32>
      %add3A_527 = arith.addi %add3A_20, %add3A_526 : vector<16xi32>
      %gather3A_528 = tpu.vector_load_idx %arg5[%add3A_527] : memref<35328xf32, #tpu.memory_space<vmem>>[vector<16xi32>], vector<16xf32>,
      %gather3A_529 = tpu.vector_load_idx %arg6[%add3A_527] : memref<35328xf32, #tpu.memory_space<vmem>>[vector<16xi32>], vector<16xf32>,
      %sub3A_530 = arith.subf %gather3A_528, %gather3A_529 : vector<16xf32>
      %add3A_531 = arith.constant 67 : i32
      %add3A_532 = vector.broadcast %add3A_531 : i32 to vector<16xi32>
      %add3A_533 = arith.addi %add3A_20, %add3A_532 : vector<16xi32>
      %gather3A_534 = tpu.vector_load_idx %arg5[%add3A_533] : memref<35328xf32, #tpu.memory_space<vmem>>[vector<16xi32>], vector<16xf32>,
      %gather3A_535 = tpu.vector_load_idx %arg6[%add3A_533] : memref<35328xf32, #tpu.memory_space<vmem>>[vector<16xi32>], vector<16xf32>,
      %sub3A_536 = arith.subf %gather3A_534, %gather3A_535 : vector<16xf32>
      %add3A_537 = arith.constant 68 : i32
      %add3A_538 = vector.broadcast %add3A_537 : i32 to vector<16xi32>
      %add3A_539 = arith.addi %add3A_20, %add3A_538 : vector<16xi32>
      %gather3A_540 = tpu.vector_load_idx %arg5[%add3A_539] : memref<35328xf32, #tpu.memory_space<vmem>>[vector<16xi32>], vector<16xf32>,
      %gather3A_541 = tpu.vector_load_idx %arg6[%add3A_539] : memref<35328xf32, #tpu.memory_space<vmem>>[vector<16xi32>], vector<16xf32>,
      %sub3A_542 = arith.subf %gather3A_540, %gather3A_541 : vector<16xf32>
      %sub3A_543 = arith.subf %sub3A_410, %sub3A_416 : vector<16xf32>
      %mul3A_544 = arith.mulf %sub3A_543, %sub3A_543 : vector<16xf32>
      %add3A_545 = arith.addf %add3A_341, %mul3A_544 : vector<16xf32>
      %sub3A_546 = arith.subf %sub3A_416, %sub3A_422 : vector<16xf32>
      %mul3A_547 = arith.mulf %sub3A_546, %sub3A_546 : vector<16xf32>
      %add3A_548 = arith.addf %add3A_344, %mul3A_547 : vector<16xf32>
      %sub3A_549 = arith.subf %sub3A_422, %sub3A_428 : vector<16xf32>
      %mul3A_550 = arith.mulf %sub3A_549, %sub3A_549 : vector<16xf32>
      %add3A_551 = arith.addf %add3A_347, %mul3A_550 : vector<16xf32>
      %sub3A_552 = arith.subf %sub3A_428, %sub3A_434 : vector<16xf32>
      %mul3A_553 = arith.mulf %sub3A_552, %sub3A_552 : vector<16xf32>
      %add3A_554 = arith.addf %add3A_350, %mul3A_553 : vector<16xf32>
      %sub3A_555 = arith.subf %sub3A_434, %sub3A_440 : vector<16xf32>
      %mul3A_556 = arith.mulf %sub3A_555, %sub3A_555 : vector<16xf32>
      %add3A_557 = arith.addf %add3A_353, %mul3A_556 : vector<16xf32>
      %sub3A_558 = arith.subf %sub3A_440, %sub3A_446 : vector<16xf32>
      %mul3A_559 = arith.mulf %sub3A_558, %sub3A_558 : vector<16xf32>
      %add3A_560 = arith.addf %add3A_356, %mul3A_559 : vector<16xf32>
      %sub3A_561 = arith.subf %sub3A_446, %sub3A_452 : vector<16xf32>
      %mul3A_562 = arith.mulf %sub3A_561, %sub3A_561 : vector<16xf32>
      %add3A_563 = arith.addf %add3A_359, %mul3A_562 : vector<16xf32>
      %sub3A_564 = arith.subf %sub3A_428, %sub3A_458 : vector<16xf32>
      %mul3A_565 = arith.mulf %sub3A_564, %sub3A_564 : vector<16xf32>
      %add3A_566 = arith.addf %add3A_362, %mul3A_565 : vector<16xf32>
      %sub3A_567 = arith.subf %sub3A_458, %sub3A_464 : vector<16xf32>
      %mul3A_568 = arith.mulf %sub3A_567, %sub3A_567 : vector<16xf32>
      %add3A_569 = arith.addf %add3A_365, %mul3A_568 : vector<16xf32>
      %sub3A_570 = arith.subf %sub3A_464, %sub3A_470 : vector<16xf32>
      %mul3A_571 = arith.mulf %sub3A_570, %sub3A_570 : vector<16xf32>
      %add3A_572 = arith.addf %add3A_368, %mul3A_571 : vector<16xf32>
      %sub3A_573 = arith.subf %sub3A_470, %sub3A_476 : vector<16xf32>
      %mul3A_574 = arith.mulf %sub3A_573, %sub3A_573 : vector<16xf32>
      %add3A_575 = arith.addf %add3A_371, %mul3A_574 : vector<16xf32>
      %sub3A_576 = arith.subf %sub3A_428, %sub3A_482 : vector<16xf32>
      %mul3A_577 = arith.mulf %sub3A_576, %sub3A_576 : vector<16xf32>
      %add3A_578 = arith.addf %add3A_374, %mul3A_577 : vector<16xf32>
      %sub3A_579 = arith.subf %sub3A_482, %sub3A_488 : vector<16xf32>
      %mul3A_580 = arith.mulf %sub3A_579, %sub3A_579 : vector<16xf32>
      %add3A_581 = arith.addf %add3A_377, %mul3A_580 : vector<16xf32>
      %sub3A_582 = arith.subf %sub3A_488, %sub3A_494 : vector<16xf32>
      %mul3A_583 = arith.mulf %sub3A_582, %sub3A_582 : vector<16xf32>
      %add3A_584 = arith.addf %add3A_380, %mul3A_583 : vector<16xf32>
      %sub3A_585 = arith.subf %sub3A_494, %sub3A_500 : vector<16xf32>
      %mul3A_586 = arith.mulf %sub3A_585, %sub3A_585 : vector<16xf32>
      %add3A_587 = arith.addf %add3A_383, %mul3A_586 : vector<16xf32>
      %sub3A_588 = arith.subf %sub3A_410, %sub3A_506 : vector<16xf32>
      %mul3A_589 = arith.mulf %sub3A_588, %sub3A_588 : vector<16xf32>
      %add3A_590 = arith.addf %add3A_386, %mul3A_589 : vector<16xf32>
      %sub3A_591 = arith.subf %sub3A_506, %sub3A_512 : vector<16xf32>
      %mul3A_592 = arith.mulf %sub3A_591, %sub3A_591 : vector<16xf32>
      %add3A_593 = arith.addf %add3A_389, %mul3A_592 : vector<16xf32>
      %sub3A_594 = arith.subf %sub3A_512, %sub3A_518 : vector<16xf32>
      %mul3A_595 = arith.mulf %sub3A_594, %sub3A_594 : vector<16xf32>
      %add3A_596 = arith.addf %add3A_392, %mul3A_595 : vector<16xf32>
      %sub3A_597 = arith.subf %sub3A_518, %sub3A_524 : vector<16xf32>
      %mul3A_598 = arith.mulf %sub3A_597, %sub3A_597 : vector<16xf32>
      %add3A_599 = arith.addf %add3A_395, %mul3A_598 : vector<16xf32>
      %sub3A_600 = arith.subf %sub3A_410, %sub3A_530 : vector<16xf32>
      %mul3A_601 = arith.mulf %sub3A_600, %sub3A_600 : vector<16xf32>
      %add3A_602 = arith.addf %add3A_398, %mul3A_601 : vector<16xf32>
      %sub3A_603 = arith.subf %sub3A_530, %sub3A_536 : vector<16xf32>
      %mul3A_604 = arith.mulf %sub3A_603, %sub3A_603 : vector<16xf32>
      %add3A_605 = arith.addf %add3A_401, %mul3A_604 : vector<16xf32>
      %sub3A_606 = arith.subf %sub3A_536, %sub3A_542 : vector<16xf32>
      %mul3A_607 = arith.mulf %sub3A_606, %sub3A_606 : vector<16xf32>
      %add3A_608 = arith.addf %add3A_404, %mul3A_607 : vector<16xf32>
      %get3A = arith.constant 0 : index
      %get3A_609 = tpu.vector_load %arg7[%get3A] {strides = array<i32>} : memref<16xf32, #tpu.memory_space<vmem>>, vector<16xf32>,
      %max3A = arith.constant 1.000000e-35 : f32
      %max3A_610 = vector.broadcast %max3A : f32 to vector<16xf32>
      %max3A_611 = arith.maximumf %add3A_545, %max3A_610 : vector<16xf32>
      %bitcast_convert_type3A = tpu.bitcast %max3A_611 : vector<16xf32> -> vector<16xi32>
      %shift_right_logical3A = arith.constant 1 : i32
      %shift_right_logical3A_612 = vector.broadcast %shift_right_logical3A : i32 to vector<16xi32>
      %shift_right_logical3A_613 = arith.shrui %bitcast_convert_type3A, %shift_right_logical3A_612 : vector<16xi32>
      %sub3A_614 = arith.constant 1597463007 : i32
      %sub3A_615 = vector.broadcast %sub3A_614 : i32 to vector<16xi32>
      %sub3A_616 = arith.subi %sub3A_615, %shift_right_logical3A_613 : vector<16xi32>
      %bitcast_convert_type3A_617 = tpu.bitcast %sub3A_616 : vector<16xi32> -> vector<16xf32>
      %mul3A_618 = arith.constant 5.000000e-01 : f32
      %mul3A_619 = vector.broadcast %mul3A_618 : f32 to vector<16xf32>
      %mul3A_620 = arith.mulf %max3A_611, %mul3A_619 : vector<16xf32>
      %mul3A_621 = arith.mulf %mul3A_620, %bitcast_convert_type3A_617 : vector<16xf32>
      %mul3A_622 = arith.mulf %mul3A_621, %bitcast_convert_type3A_617 : vector<16xf32>
      %sub3A_623 = arith.constant 1.500000e+00 : f32
      %sub3A_624 = vector.broadcast %sub3A_623 : f32 to vector<16xf32>
      %sub3A_625 = arith.subf %sub3A_624, %mul3A_622 : vector<16xf32>
      %mul3A_626 = arith.mulf %bitcast_convert_type3A_617, %sub3A_625 : vector<16xf32>
      %mul3A_627 = arith.mulf %mul3A_620, %mul3A_626 : vector<16xf32>
      %mul3A_628 = arith.mulf %mul3A_627, %mul3A_626 : vector<16xf32>
      %sub3A_629 = arith.constant 1.500000e+00 : f32
      %sub3A_630 = vector.broadcast %sub3A_629 : f32 to vector<16xf32>
      %sub3A_631 = arith.subf %sub3A_630, %mul3A_628 : vector<16xf32>
      %mul3A_632 = arith.mulf %mul3A_626, %sub3A_631 : vector<16xf32>
      %mul3A_633 = arith.mulf %mul3A_620, %mul3A_632 : vector<16xf32>
      %mul3A_634 = arith.mulf %mul3A_633, %mul3A_632 : vector<16xf32>
      %sub3A_635 = arith.constant 1.500000e+00 : f32
      %sub3A_636 = vector.broadcast %sub3A_635 : f32 to vector<16xf32>
      %sub3A_637 = arith.subf %sub3A_636, %mul3A_634 : vector<16xf32>
      %mul3A_638 = arith.mulf %mul3A_632, %sub3A_637 : vector<16xf32>
      %mul3A_639 = arith.mulf %max3A_611, %mul3A_638 : vector<16xf32>
      %add3A_640 = arith.addf %get3A_609, %mul3A_639 : vector<16xf32>
      %max3A_641 = arith.constant 1.000000e-35 : f32
      %max3A_642 = vector.broadcast %max3A_641 : f32 to vector<16xf32>
      %max3A_643 = arith.maximumf %add3A_548, %max3A_642 : vector<16xf32>
      %bitcast_convert_type3A_644 = tpu.bitcast %max3A_643 : vector<16xf32> -> vector<16xi32>
      %shift_right_logical3A_645 = arith.constant 1 : i32
      %shift_right_logical3A_646 = vector.broadcast %shift_right_logical3A_645 : i32 to vector<16xi32>
      %shift_right_logical3A_647 = arith.shrui %bitcast_convert_type3A_644, %shift_right_logical3A_646 : vector<16xi32>
      %sub3A_648 = arith.constant 1597463007 : i32
      %sub3A_649 = vector.broadcast %sub3A_648 : i32 to vector<16xi32>
      %sub3A_650 = arith.subi %sub3A_649, %shift_right_logical3A_647 : vector<16xi32>
      %bitcast_convert_type3A_651 = tpu.bitcast %sub3A_650 : vector<16xi32> -> vector<16xf32>
      %mul3A_652 = arith.constant 5.000000e-01 : f32
      %mul3A_653 = vector.broadcast %mul3A_652 : f32 to vector<16xf32>
      %mul3A_654 = arith.mulf %max3A_643, %mul3A_653 : vector<16xf32>
      %mul3A_655 = arith.mulf %mul3A_654, %bitcast_convert_type3A_651 : vector<16xf32>
      %mul3A_656 = arith.mulf %mul3A_655, %bitcast_convert_type3A_651 : vector<16xf32>
      %sub3A_657 = arith.constant 1.500000e+00 : f32
      %sub3A_658 = vector.broadcast %sub3A_657 : f32 to vector<16xf32>
      %sub3A_659 = arith.subf %sub3A_658, %mul3A_656 : vector<16xf32>
      %mul3A_660 = arith.mulf %bitcast_convert_type3A_651, %sub3A_659 : vector<16xf32>
      %mul3A_661 = arith.mulf %mul3A_654, %mul3A_660 : vector<16xf32>
      %mul3A_662 = arith.mulf %mul3A_661, %mul3A_660 : vector<16xf32>
      %sub3A_663 = arith.constant 1.500000e+00 : f32
      %sub3A_664 = vector.broadcast %sub3A_663 : f32 to vector<16xf32>
      %sub3A_665 = arith.subf %sub3A_664, %mul3A_662 : vector<16xf32>
      %mul3A_666 = arith.mulf %mul3A_660, %sub3A_665 : vector<16xf32>
      %mul3A_667 = arith.mulf %mul3A_654, %mul3A_666 : vector<16xf32>
      %mul3A_668 = arith.mulf %mul3A_667, %mul3A_666 : vector<16xf32>
      %sub3A_669 = arith.constant 1.500000e+00 : f32
      %sub3A_670 = vector.broadcast %sub3A_669 : f32 to vector<16xf32>
      %sub3A_671 = arith.subf %sub3A_670, %mul3A_668 : vector<16xf32>
      %mul3A_672 = arith.mulf %mul3A_666, %sub3A_671 : vector<16xf32>
      %mul3A_673 = arith.mulf %max3A_643, %mul3A_672 : vector<16xf32>
      %add3A_674 = arith.addf %add3A_640, %mul3A_673 : vector<16xf32>
      %max3A_675 = arith.constant 1.000000e-35 : f32
      %max3A_676 = vector.broadcast %max3A_675 : f32 to vector<16xf32>
      %max3A_677 = arith.maximumf %add3A_551, %max3A_676 : vector<16xf32>
      %bitcast_convert_type3A_678 = tpu.bitcast %max3A_677 : vector<16xf32> -> vector<16xi32>
      %shift_right_logical3A_679 = arith.constant 1 : i32
      %shift_right_logical3A_680 = vector.broadcast %shift_right_logical3A_679 : i32 to vector<16xi32>
      %shift_right_logical3A_681 = arith.shrui %bitcast_convert_type3A_678, %shift_right_logical3A_680 : vector<16xi32>
      %sub3A_682 = arith.constant 1597463007 : i32
      %sub3A_683 = vector.broadcast %sub3A_682 : i32 to vector<16xi32>
      %sub3A_684 = arith.subi %sub3A_683, %shift_right_logical3A_681 : vector<16xi32>
      %bitcast_convert_type3A_685 = tpu.bitcast %sub3A_684 : vector<16xi32> -> vector<16xf32>
      %mul3A_686 = arith.constant 5.000000e-01 : f32
      %mul3A_687 = vector.broadcast %mul3A_686 : f32 to vector<16xf32>
      %mul3A_688 = arith.mulf %max3A_677, %mul3A_687 : vector<16xf32>
      %mul3A_689 = arith.mulf %mul3A_688, %bitcast_convert_type3A_685 : vector<16xf32>
      %mul3A_690 = arith.mulf %mul3A_689, %bitcast_convert_type3A_685 : vector<16xf32>
      %sub3A_691 = arith.constant 1.500000e+00 : f32
      %sub3A_692 = vector.broadcast %sub3A_691 : f32 to vector<16xf32>
      %sub3A_693 = arith.subf %sub3A_692, %mul3A_690 : vector<16xf32>
      %mul3A_694 = arith.mulf %bitcast_convert_type3A_685, %sub3A_693 : vector<16xf32>
      %mul3A_695 = arith.mulf %mul3A_688, %mul3A_694 : vector<16xf32>
      %mul3A_696 = arith.mulf %mul3A_695, %mul3A_694 : vector<16xf32>
      %sub3A_697 = arith.constant 1.500000e+00 : f32
      %sub3A_698 = vector.broadcast %sub3A_697 : f32 to vector<16xf32>
      %sub3A_699 = arith.subf %sub3A_698, %mul3A_696 : vector<16xf32>
      %mul3A_700 = arith.mulf %mul3A_694, %sub3A_699 : vector<16xf32>
      %mul3A_701 = arith.mulf %mul3A_688, %mul3A_700 : vector<16xf32>
      %mul3A_702 = arith.mulf %mul3A_701, %mul3A_700 : vector<16xf32>
      %sub3A_703 = arith.constant 1.500000e+00 : f32
      %sub3A_704 = vector.broadcast %sub3A_703 : f32 to vector<16xf32>
      %sub3A_705 = arith.subf %sub3A_704, %mul3A_702 : vector<16xf32>
      %mul3A_706 = arith.mulf %mul3A_700, %sub3A_705 : vector<16xf32>
      %mul3A_707 = arith.mulf %max3A_677, %mul3A_706 : vector<16xf32>
      %add3A_708 = arith.addf %add3A_674, %mul3A_707 : vector<16xf32>
      %max3A_709 = arith.constant 1.000000e-35 : f32
      %max3A_710 = vector.broadcast %max3A_709 : f32 to vector<16xf32>
      %max3A_711 = arith.maximumf %add3A_554, %max3A_710 : vector<16xf32>
      %bitcast_convert_type3A_712 = tpu.bitcast %max3A_711 : vector<16xf32> -> vector<16xi32>
      %shift_right_logical3A_713 = arith.constant 1 : i32
      %shift_right_logical3A_714 = vector.broadcast %shift_right_logical3A_713 : i32 to vector<16xi32>
      %shift_right_logical3A_715 = arith.shrui %bitcast_convert_type3A_712, %shift_right_logical3A_714 : vector<16xi32>
      %sub3A_716 = arith.constant 1597463007 : i32
      %sub3A_717 = vector.broadcast %sub3A_716 : i32 to vector<16xi32>
      %sub3A_718 = arith.subi %sub3A_717, %shift_right_logical3A_715 : vector<16xi32>
      %bitcast_convert_type3A_719 = tpu.bitcast %sub3A_718 : vector<16xi32> -> vector<16xf32>
      %mul3A_720 = arith.constant 5.000000e-01 : f32
      %mul3A_721 = vector.broadcast %mul3A_720 : f32 to vector<16xf32>
      %mul3A_722 = arith.mulf %max3A_711, %mul3A_721 : vector<16xf32>
      %mul3A_723 = arith.mulf %mul3A_722, %bitcast_convert_type3A_719 : vector<16xf32>
      %mul3A_724 = arith.mulf %mul3A_723, %bitcast_convert_type3A_719 : vector<16xf32>
      %sub3A_725 = arith.constant 1.500000e+00 : f32
      %sub3A_726 = vector.broadcast %sub3A_725 : f32 to vector<16xf32>
      %sub3A_727 = arith.subf %sub3A_726, %mul3A_724 : vector<16xf32>
      %mul3A_728 = arith.mulf %bitcast_convert_type3A_719, %sub3A_727 : vector<16xf32>
      %mul3A_729 = arith.mulf %mul3A_722, %mul3A_728 : vector<16xf32>
      %mul3A_730 = arith.mulf %mul3A_729, %mul3A_728 : vector<16xf32>
      %sub3A_731 = arith.constant 1.500000e+00 : f32
      %sub3A_732 = vector.broadcast %sub3A_731 : f32 to vector<16xf32>
      %sub3A_733 = arith.subf %sub3A_732, %mul3A_730 : vector<16xf32>
      %mul3A_734 = arith.mulf %mul3A_728, %sub3A_733 : vector<16xf32>
      %mul3A_735 = arith.mulf %mul3A_722, %mul3A_734 : vector<16xf32>
      %mul3A_736 = arith.mulf %mul3A_735, %mul3A_734 : vector<16xf32>
      %sub3A_737 = arith.constant 1.500000e+00 : f32
      %sub3A_738 = vector.broadcast %sub3A_737 : f32 to vector<16xf32>
      %sub3A_739 = arith.subf %sub3A_738, %mul3A_736 : vector<16xf32>
      %mul3A_740 = arith.mulf %mul3A_734, %sub3A_739 : vector<16xf32>
      %mul3A_741 = arith.mulf %max3A_711, %mul3A_740 : vector<16xf32>
      %add3A_742 = arith.addf %add3A_708, %mul3A_741 : vector<16xf32>
      %max3A_743 = arith.constant 1.000000e-35 : f32
      %max3A_744 = vector.broadcast %max3A_743 : f32 to vector<16xf32>
      %max3A_745 = arith.maximumf %add3A_557, %max3A_744 : vector<16xf32>
      %bitcast_convert_type3A_746 = tpu.bitcast %max3A_745 : vector<16xf32> -> vector<16xi32>
      %shift_right_logical3A_747 = arith.constant 1 : i32
      %shift_right_logical3A_748 = vector.broadcast %shift_right_logical3A_747 : i32 to vector<16xi32>
      %shift_right_logical3A_749 = arith.shrui %bitcast_convert_type3A_746, %shift_right_logical3A_748 : vector<16xi32>
      %sub3A_750 = arith.constant 1597463007 : i32
      %sub3A_751 = vector.broadcast %sub3A_750 : i32 to vector<16xi32>
      %sub3A_752 = arith.subi %sub3A_751, %shift_right_logical3A_749 : vector<16xi32>
      %bitcast_convert_type3A_753 = tpu.bitcast %sub3A_752 : vector<16xi32> -> vector<16xf32>
      %mul3A_754 = arith.constant 5.000000e-01 : f32
      %mul3A_755 = vector.broadcast %mul3A_754 : f32 to vector<16xf32>
      %mul3A_756 = arith.mulf %max3A_745, %mul3A_755 : vector<16xf32>
      %mul3A_757 = arith.mulf %mul3A_756, %bitcast_convert_type3A_753 : vector<16xf32>
      %mul3A_758 = arith.mulf %mul3A_757, %bitcast_convert_type3A_753 : vector<16xf32>
      %sub3A_759 = arith.constant 1.500000e+00 : f32
      %sub3A_760 = vector.broadcast %sub3A_759 : f32 to vector<16xf32>
      %sub3A_761 = arith.subf %sub3A_760, %mul3A_758 : vector<16xf32>
      %mul3A_762 = arith.mulf %bitcast_convert_type3A_753, %sub3A_761 : vector<16xf32>
      %mul3A_763 = arith.mulf %mul3A_756, %mul3A_762 : vector<16xf32>
      %mul3A_764 = arith.mulf %mul3A_763, %mul3A_762 : vector<16xf32>
      %sub3A_765 = arith.constant 1.500000e+00 : f32
      %sub3A_766 = vector.broadcast %sub3A_765 : f32 to vector<16xf32>
      %sub3A_767 = arith.subf %sub3A_766, %mul3A_764 : vector<16xf32>
      %mul3A_768 = arith.mulf %mul3A_762, %sub3A_767 : vector<16xf32>
      %mul3A_769 = arith.mulf %mul3A_756, %mul3A_768 : vector<16xf32>
      %mul3A_770 = arith.mulf %mul3A_769, %mul3A_768 : vector<16xf32>
      %sub3A_771 = arith.constant 1.500000e+00 : f32
      %sub3A_772 = vector.broadcast %sub3A_771 : f32 to vector<16xf32>
      %sub3A_773 = arith.subf %sub3A_772, %mul3A_770 : vector<16xf32>
      %mul3A_774 = arith.mulf %mul3A_768, %sub3A_773 : vector<16xf32>
      %mul3A_775 = arith.mulf %max3A_745, %mul3A_774 : vector<16xf32>
      %add3A_776 = arith.addf %add3A_742, %mul3A_775 : vector<16xf32>
      %max3A_777 = arith.constant 1.000000e-35 : f32
      %max3A_778 = vector.broadcast %max3A_777 : f32 to vector<16xf32>
      %max3A_779 = arith.maximumf %add3A_560, %max3A_778 : vector<16xf32>
      %bitcast_convert_type3A_780 = tpu.bitcast %max3A_779 : vector<16xf32> -> vector<16xi32>
      %shift_right_logical3A_781 = arith.constant 1 : i32
      %shift_right_logical3A_782 = vector.broadcast %shift_right_logical3A_781 : i32 to vector<16xi32>
      %shift_right_logical3A_783 = arith.shrui %bitcast_convert_type3A_780, %shift_right_logical3A_782 : vector<16xi32>
      %sub3A_784 = arith.constant 1597463007 : i32
      %sub3A_785 = vector.broadcast %sub3A_784 : i32 to vector<16xi32>
      %sub3A_786 = arith.subi %sub3A_785, %shift_right_logical3A_783 : vector<16xi32>
      %bitcast_convert_type3A_787 = tpu.bitcast %sub3A_786 : vector<16xi32> -> vector<16xf32>
      %mul3A_788 = arith.constant 5.000000e-01 : f32
      %mul3A_789 = vector.broadcast %mul3A_788 : f32 to vector<16xf32>
      %mul3A_790 = arith.mulf %max3A_779, %mul3A_789 : vector<16xf32>
      %mul3A_791 = arith.mulf %mul3A_790, %bitcast_convert_type3A_787 : vector<16xf32>
      %mul3A_792 = arith.mulf %mul3A_791, %bitcast_convert_type3A_787 : vector<16xf32>
      %sub3A_793 = arith.constant 1.500000e+00 : f32
      %sub3A_794 = vector.broadcast %sub3A_793 : f32 to vector<16xf32>
      %sub3A_795 = arith.subf %sub3A_794, %mul3A_792 : vector<16xf32>
      %mul3A_796 = arith.mulf %bitcast_convert_type3A_787, %sub3A_795 : vector<16xf32>
      %mul3A_797 = arith.mulf %mul3A_790, %mul3A_796 : vector<16xf32>
      %mul3A_798 = arith.mulf %mul3A_797, %mul3A_796 : vector<16xf32>
      %sub3A_799 = arith.constant 1.500000e+00 : f32
      %sub3A_800 = vector.broadcast %sub3A_799 : f32 to vector<16xf32>
      %sub3A_801 = arith.subf %sub3A_800, %mul3A_798 : vector<16xf32>
      %mul3A_802 = arith.mulf %mul3A_796, %sub3A_801 : vector<16xf32>
      %mul3A_803 = arith.mulf %mul3A_790, %mul3A_802 : vector<16xf32>
      %mul3A_804 = arith.mulf %mul3A_803, %mul3A_802 : vector<16xf32>
      %sub3A_805 = arith.constant 1.500000e+00 : f32
      %sub3A_806 = vector.broadcast %sub3A_805 : f32 to vector<16xf32>
      %sub3A_807 = arith.subf %sub3A_806, %mul3A_804 : vector<16xf32>
      %mul3A_808 = arith.mulf %mul3A_802, %sub3A_807 : vector<16xf32>
      %mul3A_809 = arith.mulf %max3A_779, %mul3A_808 : vector<16xf32>
      %add3A_810 = arith.addf %add3A_776, %mul3A_809 : vector<16xf32>
      %max3A_811 = arith.constant 1.000000e-35 : f32
      %max3A_812 = vector.broadcast %max3A_811 : f32 to vector<16xf32>
      %max3A_813 = arith.maximumf %add3A_563, %max3A_812 : vector<16xf32>
      %bitcast_convert_type3A_814 = tpu.bitcast %max3A_813 : vector<16xf32> -> vector<16xi32>
      %shift_right_logical3A_815 = arith.constant 1 : i32
      %shift_right_logical3A_816 = vector.broadcast %shift_right_logical3A_815 : i32 to vector<16xi32>
      %shift_right_logical3A_817 = arith.shrui %bitcast_convert_type3A_814, %shift_right_logical3A_816 : vector<16xi32>
      %sub3A_818 = arith.constant 1597463007 : i32
      %sub3A_819 = vector.broadcast %sub3A_818 : i32 to vector<16xi32>
      %sub3A_820 = arith.subi %sub3A_819, %shift_right_logical3A_817 : vector<16xi32>
      %bitcast_convert_type3A_821 = tpu.bitcast %sub3A_820 : vector<16xi32> -> vector<16xf32>
      %mul3A_822 = arith.constant 5.000000e-01 : f32
      %mul3A_823 = vector.broadcast %mul3A_822 : f32 to vector<16xf32>
      %mul3A_824 = arith.mulf %max3A_813, %mul3A_823 : vector<16xf32>
      %mul3A_825 = arith.mulf %mul3A_824, %bitcast_convert_type3A_821 : vector<16xf32>
      %mul3A_826 = arith.mulf %mul3A_825, %bitcast_convert_type3A_821 : vector<16xf32>
      %sub3A_827 = arith.constant 1.500000e+00 : f32
      %sub3A_828 = vector.broadcast %sub3A_827 : f32 to vector<16xf32>
      %sub3A_829 = arith.subf %sub3A_828, %mul3A_826 : vector<16xf32>
      %mul3A_830 = arith.mulf %bitcast_convert_type3A_821, %sub3A_829 : vector<16xf32>
      %mul3A_831 = arith.mulf %mul3A_824, %mul3A_830 : vector<16xf32>
      %mul3A_832 = arith.mulf %mul3A_831, %mul3A_830 : vector<16xf32>
      %sub3A_833 = arith.constant 1.500000e+00 : f32
      %sub3A_834 = vector.broadcast %sub3A_833 : f32 to vector<16xf32>
      %sub3A_835 = arith.subf %sub3A_834, %mul3A_832 : vector<16xf32>
      %mul3A_836 = arith.mulf %mul3A_830, %sub3A_835 : vector<16xf32>
      %mul3A_837 = arith.mulf %mul3A_824, %mul3A_836 : vector<16xf32>
      %mul3A_838 = arith.mulf %mul3A_837, %mul3A_836 : vector<16xf32>
      %sub3A_839 = arith.constant 1.500000e+00 : f32
      %sub3A_840 = vector.broadcast %sub3A_839 : f32 to vector<16xf32>
      %sub3A_841 = arith.subf %sub3A_840, %mul3A_838 : vector<16xf32>
      %mul3A_842 = arith.mulf %mul3A_836, %sub3A_841 : vector<16xf32>
      %mul3A_843 = arith.mulf %max3A_813, %mul3A_842 : vector<16xf32>
      %add3A_844 = arith.addf %add3A_810, %mul3A_843 : vector<16xf32>
      %max3A_845 = arith.constant 1.000000e-35 : f32
      %max3A_846 = vector.broadcast %max3A_845 : f32 to vector<16xf32>
      %max3A_847 = arith.maximumf %add3A_566, %max3A_846 : vector<16xf32>
      %bitcast_convert_type3A_848 = tpu.bitcast %max3A_847 : vector<16xf32> -> vector<16xi32>
      %shift_right_logical3A_849 = arith.constant 1 : i32
      %shift_right_logical3A_850 = vector.broadcast %shift_right_logical3A_849 : i32 to vector<16xi32>
      %shift_right_logical3A_851 = arith.shrui %bitcast_convert_type3A_848, %shift_right_logical3A_850 : vector<16xi32>
      %sub3A_852 = arith.constant 1597463007 : i32
      %sub3A_853 = vector.broadcast %sub3A_852 : i32 to vector<16xi32>
      %sub3A_854 = arith.subi %sub3A_853, %shift_right_logical3A_851 : vector<16xi32>
      %bitcast_convert_type3A_855 = tpu.bitcast %sub3A_854 : vector<16xi32> -> vector<16xf32>
      %mul3A_856 = arith.constant 5.000000e-01 : f32
      %mul3A_857 = vector.broadcast %mul3A_856 : f32 to vector<16xf32>
      %mul3A_858 = arith.mulf %max3A_847, %mul3A_857 : vector<16xf32>
      %mul3A_859 = arith.mulf %mul3A_858, %bitcast_convert_type3A_855 : vector<16xf32>
      %mul3A_860 = arith.mulf %mul3A_859, %bitcast_convert_type3A_855 : vector<16xf32>
      %sub3A_861 = arith.constant 1.500000e+00 : f32
      %sub3A_862 = vector.broadcast %sub3A_861 : f32 to vector<16xf32>
      %sub3A_863 = arith.subf %sub3A_862, %mul3A_860 : vector<16xf32>
      %mul3A_864 = arith.mulf %bitcast_convert_type3A_855, %sub3A_863 : vector<16xf32>
      %mul3A_865 = arith.mulf %mul3A_858, %mul3A_864 : vector<16xf32>
      %mul3A_866 = arith.mulf %mul3A_865, %mul3A_864 : vector<16xf32>
      %sub3A_867 = arith.constant 1.500000e+00 : f32
      %sub3A_868 = vector.broadcast %sub3A_867 : f32 to vector<16xf32>
      %sub3A_869 = arith.subf %sub3A_868, %mul3A_866 : vector<16xf32>
      %mul3A_870 = arith.mulf %mul3A_864, %sub3A_869 : vector<16xf32>
      %mul3A_871 = arith.mulf %mul3A_858, %mul3A_870 : vector<16xf32>
      %mul3A_872 = arith.mulf %mul3A_871, %mul3A_870 : vector<16xf32>
      %sub3A_873 = arith.constant 1.500000e+00 : f32
      %sub3A_874 = vector.broadcast %sub3A_873 : f32 to vector<16xf32>
      %sub3A_875 = arith.subf %sub3A_874, %mul3A_872 : vector<16xf32>
      %mul3A_876 = arith.mulf %mul3A_870, %sub3A_875 : vector<16xf32>
      %mul3A_877 = arith.mulf %max3A_847, %mul3A_876 : vector<16xf32>
      %add3A_878 = arith.addf %add3A_844, %mul3A_877 : vector<16xf32>
      %max3A_879 = arith.constant 1.000000e-35 : f32
      %max3A_880 = vector.broadcast %max3A_879 : f32 to vector<16xf32>
      %max3A_881 = arith.maximumf %add3A_569, %max3A_880 : vector<16xf32>
      %bitcast_convert_type3A_882 = tpu.bitcast %max3A_881 : vector<16xf32> -> vector<16xi32>
      %shift_right_logical3A_883 = arith.constant 1 : i32
      %shift_right_logical3A_884 = vector.broadcast %shift_right_logical3A_883 : i32 to vector<16xi32>
      %shift_right_logical3A_885 = arith.shrui %bitcast_convert_type3A_882, %shift_right_logical3A_884 : vector<16xi32>
      %sub3A_886 = arith.constant 1597463007 : i32
      %sub3A_887 = vector.broadcast %sub3A_886 : i32 to vector<16xi32>
      %sub3A_888 = arith.subi %sub3A_887, %shift_right_logical3A_885 : vector<16xi32>
      %bitcast_convert_type3A_889 = tpu.bitcast %sub3A_888 : vector<16xi32> -> vector<16xf32>
      %mul3A_890 = arith.constant 5.000000e-01 : f32
      %mul3A_891 = vector.broadcast %mul3A_890 : f32 to vector<16xf32>
      %mul3A_892 = arith.mulf %max3A_881, %mul3A_891 : vector<16xf32>
      %mul3A_893 = arith.mulf %mul3A_892, %bitcast_convert_type3A_889 : vector<16xf32>
      %mul3A_894 = arith.mulf %mul3A_893, %bitcast_convert_type3A_889 : vector<16xf32>
      %sub3A_895 = arith.constant 1.500000e+00 : f32
      %sub3A_896 = vector.broadcast %sub3A_895 : f32 to vector<16xf32>
      %sub3A_897 = arith.subf %sub3A_896, %mul3A_894 : vector<16xf32>
      %mul3A_898 = arith.mulf %bitcast_convert_type3A_889, %sub3A_897 : vector<16xf32>
      %mul3A_899 = arith.mulf %mul3A_892, %mul3A_898 : vector<16xf32>
      %mul3A_900 = arith.mulf %mul3A_899, %mul3A_898 : vector<16xf32>
      %sub3A_901 = arith.constant 1.500000e+00 : f32
      %sub3A_902 = vector.broadcast %sub3A_901 : f32 to vector<16xf32>
      %sub3A_903 = arith.subf %sub3A_902, %mul3A_900 : vector<16xf32>
      %mul3A_904 = arith.mulf %mul3A_898, %sub3A_903 : vector<16xf32>
      %mul3A_905 = arith.mulf %mul3A_892, %mul3A_904 : vector<16xf32>
      %mul3A_906 = arith.mulf %mul3A_905, %mul3A_904 : vector<16xf32>
      %sub3A_907 = arith.constant 1.500000e+00 : f32
      %sub3A_908 = vector.broadcast %sub3A_907 : f32 to vector<16xf32>
      %sub3A_909 = arith.subf %sub3A_908, %mul3A_906 : vector<16xf32>
      %mul3A_910 = arith.mulf %mul3A_904, %sub3A_909 : vector<16xf32>
      %mul3A_911 = arith.mulf %max3A_881, %mul3A_910 : vector<16xf32>
      %add3A_912 = arith.addf %add3A_878, %mul3A_911 : vector<16xf32>
      %max3A_913 = arith.constant 1.000000e-35 : f32
      %max3A_914 = vector.broadcast %max3A_913 : f32 to vector<16xf32>
      %max3A_915 = arith.maximumf %add3A_572, %max3A_914 : vector<16xf32>
      %bitcast_convert_type3A_916 = tpu.bitcast %max3A_915 : vector<16xf32> -> vector<16xi32>
      %shift_right_logical3A_917 = arith.constant 1 : i32
      %shift_right_logical3A_918 = vector.broadcast %shift_right_logical3A_917 : i32 to vector<16xi32>
      %shift_right_logical3A_919 = arith.shrui %bitcast_convert_type3A_916, %shift_right_logical3A_918 : vector<16xi32>
      %sub3A_920 = arith.constant 1597463007 : i32
      %sub3A_921 = vector.broadcast %sub3A_920 : i32 to vector<16xi32>
      %sub3A_922 = arith.subi %sub3A_921, %shift_right_logical3A_919 : vector<16xi32>
      %bitcast_convert_type3A_923 = tpu.bitcast %sub3A_922 : vector<16xi32> -> vector<16xf32>
      %mul3A_924 = arith.constant 5.000000e-01 : f32
      %mul3A_925 = vector.broadcast %mul3A_924 : f32 to vector<16xf32>
      %mul3A_926 = arith.mulf %max3A_915, %mul3A_925 : vector<16xf32>
      %mul3A_927 = arith.mulf %mul3A_926, %bitcast_convert_type3A_923 : vector<16xf32>
      %mul3A_928 = arith.mulf %mul3A_927, %bitcast_convert_type3A_923 : vector<16xf32>
      %sub3A_929 = arith.constant 1.500000e+00 : f32
      %sub3A_930 = vector.broadcast %sub3A_929 : f32 to vector<16xf32>
      %sub3A_931 = arith.subf %sub3A_930, %mul3A_928 : vector<16xf32>
      %mul3A_932 = arith.mulf %bitcast_convert_type3A_923, %sub3A_931 : vector<16xf32>
      %mul3A_933 = arith.mulf %mul3A_926, %mul3A_932 : vector<16xf32>
      %mul3A_934 = arith.mulf %mul3A_933, %mul3A_932 : vector<16xf32>
      %sub3A_935 = arith.constant 1.500000e+00 : f32
      %sub3A_936 = vector.broadcast %sub3A_935 : f32 to vector<16xf32>
      %sub3A_937 = arith.subf %sub3A_936, %mul3A_934 : vector<16xf32>
      %mul3A_938 = arith.mulf %mul3A_932, %sub3A_937 : vector<16xf32>
      %mul3A_939 = arith.mulf %mul3A_926, %mul3A_938 : vector<16xf32>
      %mul3A_940 = arith.mulf %mul3A_939, %mul3A_938 : vector<16xf32>
      %sub3A_941 = arith.constant 1.500000e+00 : f32
      %sub3A_942 = vector.broadcast %sub3A_941 : f32 to vector<16xf32>
      %sub3A_943 = arith.subf %sub3A_942, %mul3A_940 : vector<16xf32>
      %mul3A_944 = arith.mulf %mul3A_938, %sub3A_943 : vector<16xf32>
      %mul3A_945 = arith.mulf %max3A_915, %mul3A_944 : vector<16xf32>
      %add3A_946 = arith.addf %add3A_912, %mul3A_945 : vector<16xf32>
      %max3A_947 = arith.constant 1.000000e-35 : f32
      %max3A_948 = vector.broadcast %max3A_947 : f32 to vector<16xf32>
      %max3A_949 = arith.maximumf %add3A_575, %max3A_948 : vector<16xf32>
      %bitcast_convert_type3A_950 = tpu.bitcast %max3A_949 : vector<16xf32> -> vector<16xi32>
      %shift_right_logical3A_951 = arith.constant 1 : i32
      %shift_right_logical3A_952 = vector.broadcast %shift_right_logical3A_951 : i32 to vector<16xi32>
      %shift_right_logical3A_953 = arith.shrui %bitcast_convert_type3A_950, %shift_right_logical3A_952 : vector<16xi32>
      %sub3A_954 = arith.constant 1597463007 : i32
      %sub3A_955 = vector.broadcast %sub3A_954 : i32 to vector<16xi32>
      %sub3A_956 = arith.subi %sub3A_955, %shift_right_logical3A_953 : vector<16xi32>
      %bitcast_convert_type3A_957 = tpu.bitcast %sub3A_956 : vector<16xi32> -> vector<16xf32>
      %mul3A_958 = arith.constant 5.000000e-01 : f32
      %mul3A_959 = vector.broadcast %mul3A_958 : f32 to vector<16xf32>
      %mul3A_960 = arith.mulf %max3A_949, %mul3A_959 : vector<16xf32>
      %mul3A_961 = arith.mulf %mul3A_960, %bitcast_convert_type3A_957 : vector<16xf32>
      %mul3A_962 = arith.mulf %mul3A_961, %bitcast_convert_type3A_957 : vector<16xf32>
      %sub3A_963 = arith.constant 1.500000e+00 : f32
      %sub3A_964 = vector.broadcast %sub3A_963 : f32 to vector<16xf32>
      %sub3A_965 = arith.subf %sub3A_964, %mul3A_962 : vector<16xf32>
      %mul3A_966 = arith.mulf %bitcast_convert_type3A_957, %sub3A_965 : vector<16xf32>
      %mul3A_967 = arith.mulf %mul3A_960, %mul3A_966 : vector<16xf32>
      %mul3A_968 = arith.mulf %mul3A_967, %mul3A_966 : vector<16xf32>
      %sub3A_969 = arith.constant 1.500000e+00 : f32
      %sub3A_970 = vector.broadcast %sub3A_969 : f32 to vector<16xf32>
      %sub3A_971 = arith.subf %sub3A_970, %mul3A_968 : vector<16xf32>
      %mul3A_972 = arith.mulf %mul3A_966, %sub3A_971 : vector<16xf32>
      %mul3A_973 = arith.mulf %mul3A_960, %mul3A_972 : vector<16xf32>
      %mul3A_974 = arith.mulf %mul3A_973, %mul3A_972 : vector<16xf32>
      %sub3A_975 = arith.constant 1.500000e+00 : f32
      %sub3A_976 = vector.broadcast %sub3A_975 : f32 to vector<16xf32>
      %sub3A_977 = arith.subf %sub3A_976, %mul3A_974 : vector<16xf32>
      %mul3A_978 = arith.mulf %mul3A_972, %sub3A_977 : vector<16xf32>
      %mul3A_979 = arith.mulf %max3A_949, %mul3A_978 : vector<16xf32>
      %add3A_980 = arith.addf %add3A_946, %mul3A_979 : vector<16xf32>
      %max3A_981 = arith.constant 1.000000e-35 : f32
      %max3A_982 = vector.broadcast %max3A_981 : f32 to vector<16xf32>
      %max3A_983 = arith.maximumf %add3A_578, %max3A_982 : vector<16xf32>
      %bitcast_convert_type3A_984 = tpu.bitcast %max3A_983 : vector<16xf32> -> vector<16xi32>
      %shift_right_logical3A_985 = arith.constant 1 : i32
      %shift_right_logical3A_986 = vector.broadcast %shift_right_logical3A_985 : i32 to vector<16xi32>
      %shift_right_logical3A_987 = arith.shrui %bitcast_convert_type3A_984, %shift_right_logical3A_986 : vector<16xi32>
      %sub3A_988 = arith.constant 1597463007 : i32
      %sub3A_989 = vector.broadcast %sub3A_988 : i32 to vector<16xi32>
      %sub3A_990 = arith.subi %sub3A_989, %shift_right_logical3A_987 : vector<16xi32>
      %bitcast_convert_type3A_991 = tpu.bitcast %sub3A_990 : vector<16xi32> -> vector<16xf32>
      %mul3A_992 = arith.constant 5.000000e-01 : f32
      %mul3A_993 = vector.broadcast %mul3A_992 : f32 to vector<16xf32>
      %mul3A_994 = arith.mulf %max3A_983, %mul3A_993 : vector<16xf32>
      %mul3A_995 = arith.mulf %mul3A_994, %bitcast_convert_type3A_991 : vector<16xf32>
      %mul3A_996 = arith.mulf %mul3A_995, %bitcast_convert_type3A_991 : vector<16xf32>
      %sub3A_997 = arith.constant 1.500000e+00 : f32
      %sub3A_998 = vector.broadcast %sub3A_997 : f32 to vector<16xf32>
      %sub3A_999 = arith.subf %sub3A_998, %mul3A_996 : vector<16xf32>
      %mul3A_1000 = arith.mulf %bitcast_convert_type3A_991, %sub3A_999 : vector<16xf32>
      %mul3A_1001 = arith.mulf %mul3A_994, %mul3A_1000 : vector<16xf32>
      %mul3A_1002 = arith.mulf %mul3A_1001, %mul3A_1000 : vector<16xf32>
      %sub3A_1003 = arith.constant 1.500000e+00 : f32
      %sub3A_1004 = vector.broadcast %sub3A_1003 : f32 to vector<16xf32>
      %sub3A_1005 = arith.subf %sub3A_1004, %mul3A_1002 : vector<16xf32>
      %mul3A_1006 = arith.mulf %mul3A_1000, %sub3A_1005 : vector<16xf32>
      %mul3A_1007 = arith.mulf %mul3A_994, %mul3A_1006 : vector<16xf32>
      %mul3A_1008 = arith.mulf %mul3A_1007, %mul3A_1006 : vector<16xf32>
      %sub3A_1009 = arith.constant 1.500000e+00 : f32
      %sub3A_1010 = vector.broadcast %sub3A_1009 : f32 to vector<16xf32>
      %sub3A_1011 = arith.subf %sub3A_1010, %mul3A_1008 : vector<16xf32>
      %mul3A_1012 = arith.mulf %mul3A_1006, %sub3A_1011 : vector<16xf32>
      %mul3A_1013 = arith.mulf %max3A_983, %mul3A_1012 : vector<16xf32>
      %add3A_1014 = arith.addf %add3A_980, %mul3A_1013 : vector<16xf32>
      %max3A_1015 = arith.constant 1.000000e-35 : f32
      %max3A_1016 = vector.broadcast %max3A_1015 : f32 to vector<16xf32>
      %max3A_1017 = arith.maximumf %add3A_581, %max3A_1016 : vector<16xf32>
      %bitcast_convert_type3A_1018 = tpu.bitcast %max3A_1017 : vector<16xf32> -> vector<16xi32>
      %shift_right_logical3A_1019 = arith.constant 1 : i32
      %shift_right_logical3A_1020 = vector.broadcast %shift_right_logical3A_1019 : i32 to vector<16xi32>
      %shift_right_logical3A_1021 = arith.shrui %bitcast_convert_type3A_1018, %shift_right_logical3A_1020 : vector<16xi32>
      %sub3A_1022 = arith.constant 1597463007 : i32
      %sub3A_1023 = vector.broadcast %sub3A_1022 : i32 to vector<16xi32>
      %sub3A_1024 = arith.subi %sub3A_1023, %shift_right_logical3A_1021 : vector<16xi32>
      %bitcast_convert_type3A_1025 = tpu.bitcast %sub3A_1024 : vector<16xi32> -> vector<16xf32>
      %mul3A_1026 = arith.constant 5.000000e-01 : f32
      %mul3A_1027 = vector.broadcast %mul3A_1026 : f32 to vector<16xf32>
      %mul3A_1028 = arith.mulf %max3A_1017, %mul3A_1027 : vector<16xf32>
      %mul3A_1029 = arith.mulf %mul3A_1028, %bitcast_convert_type3A_1025 : vector<16xf32>
      %mul3A_1030 = arith.mulf %mul3A_1029, %bitcast_convert_type3A_1025 : vector<16xf32>
      %sub3A_1031 = arith.constant 1.500000e+00 : f32
      %sub3A_1032 = vector.broadcast %sub3A_1031 : f32 to vector<16xf32>
      %sub3A_1033 = arith.subf %sub3A_1032, %mul3A_1030 : vector<16xf32>
      %mul3A_1034 = arith.mulf %bitcast_convert_type3A_1025, %sub3A_1033 : vector<16xf32>
      %mul3A_1035 = arith.mulf %mul3A_1028, %mul3A_1034 : vector<16xf32>
      %mul3A_1036 = arith.mulf %mul3A_1035, %mul3A_1034 : vector<16xf32>
      %sub3A_1037 = arith.constant 1.500000e+00 : f32
      %sub3A_1038 = vector.broadcast %sub3A_1037 : f32 to vector<16xf32>
      %sub3A_1039 = arith.subf %sub3A_1038, %mul3A_1036 : vector<16xf32>
      %mul3A_1040 = arith.mulf %mul3A_1034, %sub3A_1039 : vector<16xf32>
      %mul3A_1041 = arith.mulf %mul3A_1028, %mul3A_1040 : vector<16xf32>
      %mul3A_1042 = arith.mulf %mul3A_1041, %mul3A_1040 : vector<16xf32>
      %sub3A_1043 = arith.constant 1.500000e+00 : f32
      %sub3A_1044 = vector.broadcast %sub3A_1043 : f32 to vector<16xf32>
      %sub3A_1045 = arith.subf %sub3A_1044, %mul3A_1042 : vector<16xf32>
      %mul3A_1046 = arith.mulf %mul3A_1040, %sub3A_1045 : vector<16xf32>
      %mul3A_1047 = arith.mulf %max3A_1017, %mul3A_1046 : vector<16xf32>
      %add3A_1048 = arith.addf %add3A_1014, %mul3A_1047 : vector<16xf32>
      %max3A_1049 = arith.constant 1.000000e-35 : f32
      %max3A_1050 = vector.broadcast %max3A_1049 : f32 to vector<16xf32>
      %max3A_1051 = arith.maximumf %add3A_584, %max3A_1050 : vector<16xf32>
      %bitcast_convert_type3A_1052 = tpu.bitcast %max3A_1051 : vector<16xf32> -> vector<16xi32>
      %shift_right_logical3A_1053 = arith.constant 1 : i32
      %shift_right_logical3A_1054 = vector.broadcast %shift_right_logical3A_1053 : i32 to vector<16xi32>
      %shift_right_logical3A_1055 = arith.shrui %bitcast_convert_type3A_1052, %shift_right_logical3A_1054 : vector<16xi32>
      %sub3A_1056 = arith.constant 1597463007 : i32
      %sub3A_1057 = vector.broadcast %sub3A_1056 : i32 to vector<16xi32>
      %sub3A_1058 = arith.subi %sub3A_1057, %shift_right_logical3A_1055 : vector<16xi32>
      %bitcast_convert_type3A_1059 = tpu.bitcast %sub3A_1058 : vector<16xi32> -> vector<16xf32>
      %mul3A_1060 = arith.constant 5.000000e-01 : f32
      %mul3A_1061 = vector.broadcast %mul3A_1060 : f32 to vector<16xf32>
      %mul3A_1062 = arith.mulf %max3A_1051, %mul3A_1061 : vector<16xf32>
      %mul3A_1063 = arith.mulf %mul3A_1062, %bitcast_convert_type3A_1059 : vector<16xf32>
      %mul3A_1064 = arith.mulf %mul3A_1063, %bitcast_convert_type3A_1059 : vector<16xf32>
      %sub3A_1065 = arith.constant 1.500000e+00 : f32
      %sub3A_1066 = vector.broadcast %sub3A_1065 : f32 to vector<16xf32>
      %sub3A_1067 = arith.subf %sub3A_1066, %mul3A_1064 : vector<16xf32>
      %mul3A_1068 = arith.mulf %bitcast_convert_type3A_1059, %sub3A_1067 : vector<16xf32>
      %mul3A_1069 = arith.mulf %mul3A_1062, %mul3A_1068 : vector<16xf32>
      %mul3A_1070 = arith.mulf %mul3A_1069, %mul3A_1068 : vector<16xf32>
      %sub3A_1071 = arith.constant 1.500000e+00 : f32
      %sub3A_1072 = vector.broadcast %sub3A_1071 : f32 to vector<16xf32>
      %sub3A_1073 = arith.subf %sub3A_1072, %mul3A_1070 : vector<16xf32>
      %mul3A_1074 = arith.mulf %mul3A_1068, %sub3A_1073 : vector<16xf32>
      %mul3A_1075 = arith.mulf %mul3A_1062, %mul3A_1074 : vector<16xf32>
      %mul3A_1076 = arith.mulf %mul3A_1075, %mul3A_1074 : vector<16xf32>
      %sub3A_1077 = arith.constant 1.500000e+00 : f32
      %sub3A_1078 = vector.broadcast %sub3A_1077 : f32 to vector<16xf32>
      %sub3A_1079 = arith.subf %sub3A_1078, %mul3A_1076 : vector<16xf32>
      %mul3A_1080 = arith.mulf %mul3A_1074, %sub3A_1079 : vector<16xf32>
      %mul3A_1081 = arith.mulf %max3A_1051, %mul3A_1080 : vector<16xf32>
      %add3A_1082 = arith.addf %add3A_1048, %mul3A_1081 : vector<16xf32>
      %max3A_1083 = arith.constant 1.000000e-35 : f32
      %max3A_1084 = vector.broadcast %max3A_1083 : f32 to vector<16xf32>
      %max3A_1085 = arith.maximumf %add3A_587, %max3A_1084 : vector<16xf32>
      %bitcast_convert_type3A_1086 = tpu.bitcast %max3A_1085 : vector<16xf32> -> vector<16xi32>
      %shift_right_logical3A_1087 = arith.constant 1 : i32
      %shift_right_logical3A_1088 = vector.broadcast %shift_right_logical3A_1087 : i32 to vector<16xi32>
      %shift_right_logical3A_1089 = arith.shrui %bitcast_convert_type3A_1086, %shift_right_logical3A_1088 : vector<16xi32>
      %sub3A_1090 = arith.constant 1597463007 : i32
      %sub3A_1091 = vector.broadcast %sub3A_1090 : i32 to vector<16xi32>
      %sub3A_1092 = arith.subi %sub3A_1091, %shift_right_logical3A_1089 : vector<16xi32>
      %bitcast_convert_type3A_1093 = tpu.bitcast %sub3A_1092 : vector<16xi32> -> vector<16xf32>
      %mul3A_1094 = arith.constant 5.000000e-01 : f32
      %mul3A_1095 = vector.broadcast %mul3A_1094 : f32 to vector<16xf32>
      %mul3A_1096 = arith.mulf %max3A_1085, %mul3A_1095 : vector<16xf32>
      %mul3A_1097 = arith.mulf %mul3A_1096, %bitcast_convert_type3A_1093 : vector<16xf32>
      %mul3A_1098 = arith.mulf %mul3A_1097, %bitcast_convert_type3A_1093 : vector<16xf32>
      %sub3A_1099 = arith.constant 1.500000e+00 : f32
      %sub3A_1100 = vector.broadcast %sub3A_1099 : f32 to vector<16xf32>
      %sub3A_1101 = arith.subf %sub3A_1100, %mul3A_1098 : vector<16xf32>
      %mul3A_1102 = arith.mulf %bitcast_convert_type3A_1093, %sub3A_1101 : vector<16xf32>
      %mul3A_1103 = arith.mulf %mul3A_1096, %mul3A_1102 : vector<16xf32>
      %mul3A_1104 = arith.mulf %mul3A_1103, %mul3A_1102 : vector<16xf32>
      %sub3A_1105 = arith.constant 1.500000e+00 : f32
      %sub3A_1106 = vector.broadcast %sub3A_1105 : f32 to vector<16xf32>
      %sub3A_1107 = arith.subf %sub3A_1106, %mul3A_1104 : vector<16xf32>
      %mul3A_1108 = arith.mulf %mul3A_1102, %sub3A_1107 : vector<16xf32>
      %mul3A_1109 = arith.mulf %mul3A_1096, %mul3A_1108 : vector<16xf32>
      %mul3A_1110 = arith.mulf %mul3A_1109, %mul3A_1108 : vector<16xf32>
      %sub3A_1111 = arith.constant 1.500000e+00 : f32
      %sub3A_1112 = vector.broadcast %sub3A_1111 : f32 to vector<16xf32>
      %sub3A_1113 = arith.subf %sub3A_1112, %mul3A_1110 : vector<16xf32>
      %mul3A_1114 = arith.mulf %mul3A_1108, %sub3A_1113 : vector<16xf32>
      %mul3A_1115 = arith.mulf %max3A_1085, %mul3A_1114 : vector<16xf32>
      %add3A_1116 = arith.addf %add3A_1082, %mul3A_1115 : vector<16xf32>
      %max3A_1117 = arith.constant 1.000000e-35 : f32
      %max3A_1118 = vector.broadcast %max3A_1117 : f32 to vector<16xf32>
      %max3A_1119 = arith.maximumf %add3A_590, %max3A_1118 : vector<16xf32>
      %bitcast_convert_type3A_1120 = tpu.bitcast %max3A_1119 : vector<16xf32> -> vector<16xi32>
      %shift_right_logical3A_1121 = arith.constant 1 : i32
      %shift_right_logical3A_1122 = vector.broadcast %shift_right_logical3A_1121 : i32 to vector<16xi32>
      %shift_right_logical3A_1123 = arith.shrui %bitcast_convert_type3A_1120, %shift_right_logical3A_1122 : vector<16xi32>
      %sub3A_1124 = arith.constant 1597463007 : i32
      %sub3A_1125 = vector.broadcast %sub3A_1124 : i32 to vector<16xi32>
      %sub3A_1126 = arith.subi %sub3A_1125, %shift_right_logical3A_1123 : vector<16xi32>
      %bitcast_convert_type3A_1127 = tpu.bitcast %sub3A_1126 : vector<16xi32> -> vector<16xf32>
      %mul3A_1128 = arith.constant 5.000000e-01 : f32
      %mul3A_1129 = vector.broadcast %mul3A_1128 : f32 to vector<16xf32>
      %mul3A_1130 = arith.mulf %max3A_1119, %mul3A_1129 : vector<16xf32>
      %mul3A_1131 = arith.mulf %mul3A_1130, %bitcast_convert_type3A_1127 : vector<16xf32>
      %mul3A_1132 = arith.mulf %mul3A_1131, %bitcast_convert_type3A_1127 : vector<16xf32>
      %sub3A_1133 = arith.constant 1.500000e+00 : f32
      %sub3A_1134 = vector.broadcast %sub3A_1133 : f32 to vector<16xf32>
      %sub3A_1135 = arith.subf %sub3A_1134, %mul3A_1132 : vector<16xf32>
      %mul3A_1136 = arith.mulf %bitcast_convert_type3A_1127, %sub3A_1135 : vector<16xf32>
      %mul3A_1137 = arith.mulf %mul3A_1130, %mul3A_1136 : vector<16xf32>
      %mul3A_1138 = arith.mulf %mul3A_1137, %mul3A_1136 : vector<16xf32>
      %sub3A_1139 = arith.constant 1.500000e+00 : f32
      %sub3A_1140 = vector.broadcast %sub3A_1139 : f32 to vector<16xf32>
      %sub3A_1141 = arith.subf %sub3A_1140, %mul3A_1138 : vector<16xf32>
      %mul3A_1142 = arith.mulf %mul3A_1136, %sub3A_1141 : vector<16xf32>
      %mul3A_1143 = arith.mulf %mul3A_1130, %mul3A_1142 : vector<16xf32>
      %mul3A_1144 = arith.mulf %mul3A_1143, %mul3A_1142 : vector<16xf32>
      %sub3A_1145 = arith.constant 1.500000e+00 : f32
      %sub3A_1146 = vector.broadcast %sub3A_1145 : f32 to vector<16xf32>
      %sub3A_1147 = arith.subf %sub3A_1146, %mul3A_1144 : vector<16xf32>
      %mul3A_1148 = arith.mulf %mul3A_1142, %sub3A_1147 : vector<16xf32>
      %mul3A_1149 = arith.mulf %max3A_1119, %mul3A_1148 : vector<16xf32>
      %add3A_1150 = arith.addf %add3A_1116, %mul3A_1149 : vector<16xf32>
      %max3A_1151 = arith.constant 1.000000e-35 : f32
      %max3A_1152 = vector.broadcast %max3A_1151 : f32 to vector<16xf32>
      %max3A_1153 = arith.maximumf %add3A_593, %max3A_1152 : vector<16xf32>
      %bitcast_convert_type3A_1154 = tpu.bitcast %max3A_1153 : vector<16xf32> -> vector<16xi32>
      %shift_right_logical3A_1155 = arith.constant 1 : i32
      %shift_right_logical3A_1156 = vector.broadcast %shift_right_logical3A_1155 : i32 to vector<16xi32>
      %shift_right_logical3A_1157 = arith.shrui %bitcast_convert_type3A_1154, %shift_right_logical3A_1156 : vector<16xi32>
      %sub3A_1158 = arith.constant 1597463007 : i32
      %sub3A_1159 = vector.broadcast %sub3A_1158 : i32 to vector<16xi32>
      %sub3A_1160 = arith.subi %sub3A_1159, %shift_right_logical3A_1157 : vector<16xi32>
      %bitcast_convert_type3A_1161 = tpu.bitcast %sub3A_1160 : vector<16xi32> -> vector<16xf32>
      %mul3A_1162 = arith.constant 5.000000e-01 : f32
      %mul3A_1163 = vector.broadcast %mul3A_1162 : f32 to vector<16xf32>
      %mul3A_1164 = arith.mulf %max3A_1153, %mul3A_1163 : vector<16xf32>
      %mul3A_1165 = arith.mulf %mul3A_1164, %bitcast_convert_type3A_1161 : vector<16xf32>
      %mul3A_1166 = arith.mulf %mul3A_1165, %bitcast_convert_type3A_1161 : vector<16xf32>
      %sub3A_1167 = arith.constant 1.500000e+00 : f32
      %sub3A_1168 = vector.broadcast %sub3A_1167 : f32 to vector<16xf32>
      %sub3A_1169 = arith.subf %sub3A_1168, %mul3A_1166 : vector<16xf32>
      %mul3A_1170 = arith.mulf %bitcast_convert_type3A_1161, %sub3A_1169 : vector<16xf32>
      %mul3A_1171 = arith.mulf %mul3A_1164, %mul3A_1170 : vector<16xf32>
      %mul3A_1172 = arith.mulf %mul3A_1171, %mul3A_1170 : vector<16xf32>
      %sub3A_1173 = arith.constant 1.500000e+00 : f32
      %sub3A_1174 = vector.broadcast %sub3A_1173 : f32 to vector<16xf32>
      %sub3A_1175 = arith.subf %sub3A_1174, %mul3A_1172 : vector<16xf32>
      %mul3A_1176 = arith.mulf %mul3A_1170, %sub3A_1175 : vector<16xf32>
      %mul3A_1177 = arith.mulf %mul3A_1164, %mul3A_1176 : vector<16xf32>
      %mul3A_1178 = arith.mulf %mul3A_1177, %mul3A_1176 : vector<16xf32>
      %sub3A_1179 = arith.constant 1.500000e+00 : f32
      %sub3A_1180 = vector.broadcast %sub3A_1179 : f32 to vector<16xf32>
      %sub3A_1181 = arith.subf %sub3A_1180, %mul3A_1178 : vector<16xf32>
      %mul3A_1182 = arith.mulf %mul3A_1176, %sub3A_1181 : vector<16xf32>
      %mul3A_1183 = arith.mulf %max3A_1153, %mul3A_1182 : vector<16xf32>
      %add3A_1184 = arith.addf %add3A_1150, %mul3A_1183 : vector<16xf32>
      %max3A_1185 = arith.constant 1.000000e-35 : f32
      %max3A_1186 = vector.broadcast %max3A_1185 : f32 to vector<16xf32>
      %max3A_1187 = arith.maximumf %add3A_596, %max3A_1186 : vector<16xf32>
      %bitcast_convert_type3A_1188 = tpu.bitcast %max3A_1187 : vector<16xf32> -> vector<16xi32>
      %shift_right_logical3A_1189 = arith.constant 1 : i32
      %shift_right_logical3A_1190 = vector.broadcast %shift_right_logical3A_1189 : i32 to vector<16xi32>
      %shift_right_logical3A_1191 = arith.shrui %bitcast_convert_type3A_1188, %shift_right_logical3A_1190 : vector<16xi32>
      %sub3A_1192 = arith.constant 1597463007 : i32
      %sub3A_1193 = vector.broadcast %sub3A_1192 : i32 to vector<16xi32>
      %sub3A_1194 = arith.subi %sub3A_1193, %shift_right_logical3A_1191 : vector<16xi32>
      %bitcast_convert_type3A_1195 = tpu.bitcast %sub3A_1194 : vector<16xi32> -> vector<16xf32>
      %mul3A_1196 = arith.constant 5.000000e-01 : f32
      %mul3A_1197 = vector.broadcast %mul3A_1196 : f32 to vector<16xf32>
      %mul3A_1198 = arith.mulf %max3A_1187, %mul3A_1197 : vector<16xf32>
      %mul3A_1199 = arith.mulf %mul3A_1198, %bitcast_convert_type3A_1195 : vector<16xf32>
      %mul3A_1200 = arith.mulf %mul3A_1199, %bitcast_convert_type3A_1195 : vector<16xf32>
      %sub3A_1201 = arith.constant 1.500000e+00 : f32
      %sub3A_1202 = vector.broadcast %sub3A_1201 : f32 to vector<16xf32>
      %sub3A_1203 = arith.subf %sub3A_1202, %mul3A_1200 : vector<16xf32>
      %mul3A_1204 = arith.mulf %bitcast_convert_type3A_1195, %sub3A_1203 : vector<16xf32>
      %mul3A_1205 = arith.mulf %mul3A_1198, %mul3A_1204 : vector<16xf32>
      %mul3A_1206 = arith.mulf %mul3A_1205, %mul3A_1204 : vector<16xf32>
      %sub3A_1207 = arith.constant 1.500000e+00 : f32
      %sub3A_1208 = vector.broadcast %sub3A_1207 : f32 to vector<16xf32>
      %sub3A_1209 = arith.subf %sub3A_1208, %mul3A_1206 : vector<16xf32>
      %mul3A_1210 = arith.mulf %mul3A_1204, %sub3A_1209 : vector<16xf32>
      %mul3A_1211 = arith.mulf %mul3A_1198, %mul3A_1210 : vector<16xf32>
      %mul3A_1212 = arith.mulf %mul3A_1211, %mul3A_1210 : vector<16xf32>
      %sub3A_1213 = arith.constant 1.500000e+00 : f32
      %sub3A_1214 = vector.broadcast %sub3A_1213 : f32 to vector<16xf32>
      %sub3A_1215 = arith.subf %sub3A_1214, %mul3A_1212 : vector<16xf32>
      %mul3A_1216 = arith.mulf %mul3A_1210, %sub3A_1215 : vector<16xf32>
      %mul3A_1217 = arith.mulf %max3A_1187, %mul3A_1216 : vector<16xf32>
      %add3A_1218 = arith.addf %add3A_1184, %mul3A_1217 : vector<16xf32>
      %max3A_1219 = arith.constant 1.000000e-35 : f32
      %max3A_1220 = vector.broadcast %max3A_1219 : f32 to vector<16xf32>
      %max3A_1221 = arith.maximumf %add3A_599, %max3A_1220 : vector<16xf32>
      %bitcast_convert_type3A_1222 = tpu.bitcast %max3A_1221 : vector<16xf32> -> vector<16xi32>
      %shift_right_logical3A_1223 = arith.constant 1 : i32
      %shift_right_logical3A_1224 = vector.broadcast %shift_right_logical3A_1223 : i32 to vector<16xi32>
      %shift_right_logical3A_1225 = arith.shrui %bitcast_convert_type3A_1222, %shift_right_logical3A_1224 : vector<16xi32>
      %sub3A_1226 = arith.constant 1597463007 : i32
      %sub3A_1227 = vector.broadcast %sub3A_1226 : i32 to vector<16xi32>
      %sub3A_1228 = arith.subi %sub3A_1227, %shift_right_logical3A_1225 : vector<16xi32>
      %bitcast_convert_type3A_1229 = tpu.bitcast %sub3A_1228 : vector<16xi32> -> vector<16xf32>
      %mul3A_1230 = arith.constant 5.000000e-01 : f32
      %mul3A_1231 = vector.broadcast %mul3A_1230 : f32 to vector<16xf32>
      %mul3A_1232 = arith.mulf %max3A_1221, %mul3A_1231 : vector<16xf32>
      %mul3A_1233 = arith.mulf %mul3A_1232, %bitcast_convert_type3A_1229 : vector<16xf32>
      %mul3A_1234 = arith.mulf %mul3A_1233, %bitcast_convert_type3A_1229 : vector<16xf32>
      %sub3A_1235 = arith.constant 1.500000e+00 : f32
      %sub3A_1236 = vector.broadcast %sub3A_1235 : f32 to vector<16xf32>
      %sub3A_1237 = arith.subf %sub3A_1236, %mul3A_1234 : vector<16xf32>
      %mul3A_1238 = arith.mulf %bitcast_convert_type3A_1229, %sub3A_1237 : vector<16xf32>
      %mul3A_1239 = arith.mulf %mul3A_1232, %mul3A_1238 : vector<16xf32>
      %mul3A_1240 = arith.mulf %mul3A_1239, %mul3A_1238 : vector<16xf32>
      %sub3A_1241 = arith.constant 1.500000e+00 : f32
      %sub3A_1242 = vector.broadcast %sub3A_1241 : f32 to vector<16xf32>
      %sub3A_1243 = arith.subf %sub3A_1242, %mul3A_1240 : vector<16xf32>
      %mul3A_1244 = arith.mulf %mul3A_1238, %sub3A_1243 : vector<16xf32>
      %mul3A_1245 = arith.mulf %mul3A_1232, %mul3A_1244 : vector<16xf32>
      %mul3A_1246 = arith.mulf %mul3A_1245, %mul3A_1244 : vector<16xf32>
      %sub3A_1247 = arith.constant 1.500000e+00 : f32
      %sub3A_1248 = vector.broadcast %sub3A_1247 : f32 to vector<16xf32>
      %sub3A_1249 = arith.subf %sub3A_1248, %mul3A_1246 : vector<16xf32>
      %mul3A_1250 = arith.mulf %mul3A_1244, %sub3A_1249 : vector<16xf32>
      %mul3A_1251 = arith.mulf %max3A_1221, %mul3A_1250 : vector<16xf32>
      %add3A_1252 = arith.addf %add3A_1218, %mul3A_1251 : vector<16xf32>
      %max3A_1253 = arith.constant 1.000000e-35 : f32
      %max3A_1254 = vector.broadcast %max3A_1253 : f32 to vector<16xf32>
      %max3A_1255 = arith.maximumf %add3A_602, %max3A_1254 : vector<16xf32>
      %bitcast_convert_type3A_1256 = tpu.bitcast %max3A_1255 : vector<16xf32> -> vector<16xi32>
      %shift_right_logical3A_1257 = arith.constant 1 : i32
      %shift_right_logical3A_1258 = vector.broadcast %shift_right_logical3A_1257 : i32 to vector<16xi32>
      %shift_right_logical3A_1259 = arith.shrui %bitcast_convert_type3A_1256, %shift_right_logical3A_1258 : vector<16xi32>
      %sub3A_1260 = arith.constant 1597463007 : i32
      %sub3A_1261 = vector.broadcast %sub3A_1260 : i32 to vector<16xi32>
      %sub3A_1262 = arith.subi %sub3A_1261, %shift_right_logical3A_1259 : vector<16xi32>
      %bitcast_convert_type3A_1263 = tpu.bitcast %sub3A_1262 : vector<16xi32> -> vector<16xf32>
      %mul3A_1264 = arith.constant 5.000000e-01 : f32
      %mul3A_1265 = vector.broadcast %mul3A_1264 : f32 to vector<16xf32>
      %mul3A_1266 = arith.mulf %max3A_1255, %mul3A_1265 : vector<16xf32>
      %mul3A_1267 = arith.mulf %mul3A_1266, %bitcast_convert_type3A_1263 : vector<16xf32>
      %mul3A_1268 = arith.mulf %mul3A_1267, %bitcast_convert_type3A_1263 : vector<16xf32>
      %sub3A_1269 = arith.constant 1.500000e+00 : f32
      %sub3A_1270 = vector.broadcast %sub3A_1269 : f32 to vector<16xf32>
      %sub3A_1271 = arith.subf %sub3A_1270, %mul3A_1268 : vector<16xf32>
      %mul3A_1272 = arith.mulf %bitcast_convert_type3A_1263, %sub3A_1271 : vector<16xf32>
      %mul3A_1273 = arith.mulf %mul3A_1266, %mul3A_1272 : vector<16xf32>
      %mul3A_1274 = arith.mulf %mul3A_1273, %mul3A_1272 : vector<16xf32>
      %sub3A_1275 = arith.constant 1.500000e+00 : f32
      %sub3A_1276 = vector.broadcast %sub3A_1275 : f32 to vector<16xf32>
      %sub3A_1277 = arith.subf %sub3A_1276, %mul3A_1274 : vector<16xf32>
      %mul3A_1278 = arith.mulf %mul3A_1272, %sub3A_1277 : vector<16xf32>
      %mul3A_1279 = arith.mulf %mul3A_1266, %mul3A_1278 : vector<16xf32>
      %mul3A_1280 = arith.mulf %mul3A_1279, %mul3A_1278 : vector<16xf32>
      %sub3A_1281 = arith.constant 1.500000e+00 : f32
      %sub3A_1282 = vector.broadcast %sub3A_1281 : f32 to vector<16xf32>
      %sub3A_1283 = arith.subf %sub3A_1282, %mul3A_1280 : vector<16xf32>
      %mul3A_1284 = arith.mulf %mul3A_1278, %sub3A_1283 : vector<16xf32>
      %mul3A_1285 = arith.mulf %max3A_1255, %mul3A_1284 : vector<16xf32>
      %add3A_1286 = arith.addf %add3A_1252, %mul3A_1285 : vector<16xf32>
      %max3A_1287 = arith.constant 1.000000e-35 : f32
      %max3A_1288 = vector.broadcast %max3A_1287 : f32 to vector<16xf32>
      %max3A_1289 = arith.maximumf %add3A_605, %max3A_1288 : vector<16xf32>
      %bitcast_convert_type3A_1290 = tpu.bitcast %max3A_1289 : vector<16xf32> -> vector<16xi32>
      %shift_right_logical3A_1291 = arith.constant 1 : i32
      %shift_right_logical3A_1292 = vector.broadcast %shift_right_logical3A_1291 : i32 to vector<16xi32>
      %shift_right_logical3A_1293 = arith.shrui %bitcast_convert_type3A_1290, %shift_right_logical3A_1292 : vector<16xi32>
      %sub3A_1294 = arith.constant 1597463007 : i32
      %sub3A_1295 = vector.broadcast %sub3A_1294 : i32 to vector<16xi32>
      %sub3A_1296 = arith.subi %sub3A_1295, %shift_right_logical3A_1293 : vector<16xi32>
      %bitcast_convert_type3A_1297 = tpu.bitcast %sub3A_1296 : vector<16xi32> -> vector<16xf32>
      %mul3A_1298 = arith.constant 5.000000e-01 : f32
      %mul3A_1299 = vector.broadcast %mul3A_1298 : f32 to vector<16xf32>
      %mul3A_1300 = arith.mulf %max3A_1289, %mul3A_1299 : vector<16xf32>
      %mul3A_1301 = arith.mulf %mul3A_1300, %bitcast_convert_type3A_1297 : vector<16xf32>
      %mul3A_1302 = arith.mulf %mul3A_1301, %bitcast_convert_type3A_1297 : vector<16xf32>
      %sub3A_1303 = arith.constant 1.500000e+00 : f32
      %sub3A_1304 = vector.broadcast %sub3A_1303 : f32 to vector<16xf32>
      %sub3A_1305 = arith.subf %sub3A_1304, %mul3A_1302 : vector<16xf32>
      %mul3A_1306 = arith.mulf %bitcast_convert_type3A_1297, %sub3A_1305 : vector<16xf32>
      %mul3A_1307 = arith.mulf %mul3A_1300, %mul3A_1306 : vector<16xf32>
      %mul3A_1308 = arith.mulf %mul3A_1307, %mul3A_1306 : vector<16xf32>
      %sub3A_1309 = arith.constant 1.500000e+00 : f32
      %sub3A_1310 = vector.broadcast %sub3A_1309 : f32 to vector<16xf32>
      %sub3A_1311 = arith.subf %sub3A_1310, %mul3A_1308 : vector<16xf32>
      %mul3A_1312 = arith.mulf %mul3A_1306, %sub3A_1311 : vector<16xf32>
      %mul3A_1313 = arith.mulf %mul3A_1300, %mul3A_1312 : vector<16xf32>
      %mul3A_1314 = arith.mulf %mul3A_1313, %mul3A_1312 : vector<16xf32>
      %sub3A_1315 = arith.constant 1.500000e+00 : f32
      %sub3A_1316 = vector.broadcast %sub3A_1315 : f32 to vector<16xf32>
      %sub3A_1317 = arith.subf %sub3A_1316, %mul3A_1314 : vector<16xf32>
      %mul3A_1318 = arith.mulf %mul3A_1312, %sub3A_1317 : vector<16xf32>
      %mul3A_1319 = arith.mulf %max3A_1289, %mul3A_1318 : vector<16xf32>
      %add3A_1320 = arith.addf %add3A_1286, %mul3A_1319 : vector<16xf32>
      %max3A_1321 = arith.constant 1.000000e-35 : f32
      %max3A_1322 = vector.broadcast %max3A_1321 : f32 to vector<16xf32>
      %max3A_1323 = arith.maximumf %add3A_608, %max3A_1322 : vector<16xf32>
      %bitcast_convert_type3A_1324 = tpu.bitcast %max3A_1323 : vector<16xf32> -> vector<16xi32>
      %shift_right_logical3A_1325 = arith.constant 1 : i32
      %shift_right_logical3A_1326 = vector.broadcast %shift_right_logical3A_1325 : i32 to vector<16xi32>
      %shift_right_logical3A_1327 = arith.shrui %bitcast_convert_type3A_1324, %shift_right_logical3A_1326 : vector<16xi32>
      %sub3A_1328 = arith.constant 1597463007 : i32
      %sub3A_1329 = vector.broadcast %sub3A_1328 : i32 to vector<16xi32>
      %sub3A_1330 = arith.subi %sub3A_1329, %shift_right_logical3A_1327 : vector<16xi32>
      %bitcast_convert_type3A_1331 = tpu.bitcast %sub3A_1330 : vector<16xi32> -> vector<16xf32>
      %mul3A_1332 = arith.constant 5.000000e-01 : f32
      %mul3A_1333 = vector.broadcast %mul3A_1332 : f32 to vector<16xf32>
      %mul3A_1334 = arith.mulf %max3A_1323, %mul3A_1333 : vector<16xf32>
      %mul3A_1335 = arith.mulf %mul3A_1334, %bitcast_convert_type3A_1331 : vector<16xf32>
      %mul3A_1336 = arith.mulf %mul3A_1335, %bitcast_convert_type3A_1331 : vector<16xf32>
      %sub3A_1337 = arith.constant 1.500000e+00 : f32
      %sub3A_1338 = vector.broadcast %sub3A_1337 : f32 to vector<16xf32>
      %sub3A_1339 = arith.subf %sub3A_1338, %mul3A_1336 : vector<16xf32>
      %mul3A_1340 = arith.mulf %bitcast_convert_type3A_1331, %sub3A_1339 : vector<16xf32>
      %mul3A_1341 = arith.mulf %mul3A_1334, %mul3A_1340 : vector<16xf32>
      %mul3A_1342 = arith.mulf %mul3A_1341, %mul3A_1340 : vector<16xf32>
      %sub3A_1343 = arith.constant 1.500000e+00 : f32
      %sub3A_1344 = vector.broadcast %sub3A_1343 : f32 to vector<16xf32>
      %sub3A_1345 = arith.subf %sub3A_1344, %mul3A_1342 : vector<16xf32>
      %mul3A_1346 = arith.mulf %mul3A_1340, %sub3A_1345 : vector<16xf32>
      %mul3A_1347 = arith.mulf %mul3A_1334, %mul3A_1346 : vector<16xf32>
      %mul3A_1348 = arith.mulf %mul3A_1347, %mul3A_1346 : vector<16xf32>
      %sub3A_1349 = arith.constant 1.500000e+00 : f32
      %sub3A_1350 = vector.broadcast %sub3A_1349 : f32 to vector<16xf32>
      %sub3A_1351 = arith.subf %sub3A_1350, %mul3A_1348 : vector<16xf32>
      %mul3A_1352 = arith.mulf %mul3A_1346, %sub3A_1351 : vector<16xf32>
      %mul3A_1353 = arith.mulf %max3A_1323, %mul3A_1352 : vector<16xf32>
      %add3A_1354 = arith.addf %add3A_1320, %mul3A_1353 : vector<16xf32>
      %swap3A_1355 = arith.constant 0 : index
      %swap3A_1356 = tpu.vector_load %arg7[%swap3A_1355] {strides = array<i32>} : memref<16xf32, #tpu.memory_space<vmem>>, vector<16xf32>,
      tpu.vector_store %arg7[%swap3A_1355], %add3A_1354 {strides = array<i32>} : memref<16xf32, #tpu.memory_space<vmem>>, vector<16xf32>,
    }
    %scan3A_11 = arith.constant 32 : i32
    "tpu.region"() ({
      %run_scoped3A = tpu.sem_alloc : memref<!tpu.dma_semaphore, #tpu.memory_space<semaphore_mem>>
      %dma_start3A = arith.constant 0 : i32
      %dma_start3A_12 = tpu.memref_slice %arg4[%add3A, %dma_start3A] : memref<32x16xf32, #tpu.memory_space<hbm>> -> memref<1x16xf32, #tpu.memory_space<hbm>>
      %dma_start3A_13 = tpu.memref_squeeze %dma_start3A_12 : memref<1x16xf32, #tpu.memory_space<hbm>> -> memref<16xf32, #tpu.memory_space<hbm>>
      %dma_start3A_14 = arith.constant 0 : i32
      %dma_start3A_15 = tpu.memref_slice %arg4[%add3A, %dma_start3A_14] : memref<32x16xf32, #tpu.memory_space<hbm>> -> memref<1x16xf32, #tpu.memory_space<hbm>>
      %dma_start3A_16 = tpu.memref_squeeze %dma_start3A_15 : memref<1x16xf32, #tpu.memory_space<hbm>> -> memref<16xf32, #tpu.memory_space<hbm>>
      tpu.enqueue_dma source(%arg7 : memref<16xf32, #tpu.memory_space<vmem>>) target(%dma_start3A_16 : memref<16xf32, #tpu.memory_space<hbm>>) target_semaphore(%run_scoped3A : memref<!tpu.dma_semaphore, #tpu.memory_space<semaphore_mem>>)
      %dma_wait3A = arith.constant 0 : i32
      %dma_wait3A_17 = tpu.memref_slice %arg4[%add3A, %dma_wait3A] : memref<32x16xf32, #tpu.memory_space<hbm>> -> memref<1x16xf32, #tpu.memory_space<hbm>>
      %dma_wait3A_18 = tpu.memref_squeeze %dma_wait3A_17 : memref<1x16xf32, #tpu.memory_space<hbm>> -> memref<16xf32, #tpu.memory_space<hbm>>
      %dma_wait3A_19 = arith.constant 0 : i32
      %dma_wait3A_20 = tpu.memref_slice %arg4[%add3A, %dma_wait3A_19] : memref<32x16xf32, #tpu.memory_space<hbm>> -> memref<1x16xf32, #tpu.memory_space<hbm>>
      %dma_wait3A_21 = tpu.memref_squeeze %dma_wait3A_20 : memref<1x16xf32, #tpu.memory_space<hbm>> -> memref<16xf32, #tpu.memory_space<hbm>>
      tpu.wait_dma2 semaphore(%run_scoped3A : memref<!tpu.dma_semaphore, #tpu.memory_space<semaphore_mem>>) src(%arg7 : memref<16xf32, #tpu.memory_space<vmem>>) dst(%dma_wait3A_21 : memref<16xf32, #tpu.memory_space<hbm>>)
      tpu.yield
    }) : () -> ()
    return
  }
}

</mosaic_0001>

<sc_bundles>
// kernel: run.3.cloned.1.call-start
scs
__scs_entry_jumppad:
0x0: {  	(pc) =	sbr.rel $0x88, $3  }
0x1: {  	(tag) =	ssettag $0x0;
	lr =	simm.s32 $0x1  }
0x2: {  	[smem:$0x3F9F] =	sst lr;
	_ =	strace $0xD0000000  }
0x3: {  	_ = 	snop  }
0x4: {  	_ = 	snop  }
0x5: {  	_ = 	snop  }
0x6: {  	_ = 	snop  }
0x7: {  	_ = 	snop  }
__scs_overlays_trampoline_lowered:
0x8: {  	[smem:$0x3FAE] =	sst s0  }
0x9: {  	[smem:$0x3FAF] =	sst s1  }
0xa: {  	[smem:$0x3FB0] =	sst s2  }
0xb: {  	[smem:$0x3FB1] =	sst s3  }
0xc: {  	[smem:$0x3FB2] =	sst s4  }
0xd: {  	[smem:$0x3FB3] =	sst s5  }
0xe: {  	[smem:$0x3FB4] =	sst s6  }
0xf: {  	[smem:$0x3FB5] =	sst s7  }
0x10: {  	[smem:$0x3FB6] =	sst s8  }
0x11: {  	[smem:$0x3FB7] =	sst s9;
	s0 =	simm.s32 @!p0 $0x0  }
0x12: {  	s1 =	sld [smem:$0x3F9D];
	s0 =	simm.s32 @p0 $0x1  }
0x13: {  	[smem:$0x3FB8] =	sst s0;
	s0 =	simm.s32 @!p1 $0x0  }
0x14: {  	s2 =	sld [smem:$0x3F9C];
	s0 =	simm.s32 @p1 $0x1  }
0x15: {  	[smem:$0x3FB9] =	sst s0;
	s0 =	simm.s32 @!p2 $0x0  }
0x16: {  	s3 =	sld [smem:$0x3FDB];
	s0 =	simm.s32 @p2 $0x1  }
0x17: {  	s4 =	simm.s32 $0x1BF5;
	[smem:$0x3FBB] =	sst s0  }
0x18: {  	s0 =	sld [smem:$0x3F9E];
	_ =	swait.ge [sflag:s4], $0x0  }
0x19: {  	s7 =	sld [smem:$0x3F9F]  }
0x1a: {  	s8 =	sadd.s32 $0xFFFFE003, lr  }
0x1b: {  	s9 =	sadd.s32 $0xFFFFFEF7, lr;
	s5 =	simm.s32 $0xFFFFFFFF;
	p2 =	slt.u32 s8, $0xFFFFF086  }
0x1c: {  	p1 =	slt.u32 s9, $0xF7A;
	s5 =	simm.s32 @!p2 $0x0  }
0x1d: {  	s5 =	simm.s32 @p1 $0x1;
	p0 =	seq.s32 s7, s2  }
0x1e: {  	s7 =	smul.u32 @!p0 $0xF7A, s2;
	p2 =	seq.s32 @!p0 s5, $0x0  }
0x1f: {  	s9 =	smul.u32 $0xF7A, s1;
	s8 =	simm.s32 @!p0 $0x1BF5;
	p2 =	por !p2, p0  }
0x20: {  	[sflag:s8] =	ssyncset.s32 @!p0 $0xFFFFF086;
	s6 =	sadd.s32 @!p0 s3, s7;
	s7 =	simm.s32 @!p0 $0x108  }
0x21: {  	s3 =	sadd.s32 s3, s9;
	s6 =	sadd.s32 @!p0 $0x88, s6;
	s7 =	simm.s32 @p2 $0x1082  }
0x22: {  	[simem:s7], [sflag:s8] =	dma.local @!p0 [hbm:s6], $0xF7A  }
0x23: {  	s9 =	sor.u32 $0xD0000000, s2;
	s6 =	simm.s32 $0x108;
	_ =	swait.ge @!p0 [sflag:s8], $0x0  }
0x24: {  	s3 =	sadd.s32 $0x88, s3;
	s6 =	simm.s32 @!p1 $0x1082;
	[sflag:s4] =	ssyncset.s32 $0xFFFFF086  }
0x25: {  	[simem:s6], [sflag:s4] =	dma.local [hbm:s3], $0xF7A  }
0x26: {  	[smem:$0x3F9F] =	sst s1;
	(tag) =	ssettag s2;
	_ =	strace s9  }
0x27: {  	s1 =	sld [smem:$0x3FAF]  }
0x28: {  	s2 =	sld [smem:$0x3FB0]  }
0x29: {  	s4 =	sld [smem:$0x3FB2]  }
0x2a: {  	p0 =	seq.s32 s5, $0x0;
	s5 =	sld [smem:$0x3FB3]  }
0x2b: {  	s6 =	sld [smem:$0x3FB4]  }
0x2c: {  	s7 =	sld [smem:$0x3FB5]  }
0x2d: {  	s3 =	simm.s32 $0x108;
	s8 =	sld [smem:$0x3FB6]  }
0x2e: {  	s3 =	simm.s32 @!p0 $0x1082;
	s9 =	sld [smem:$0x3FB7]  }
0x2f: {  	lr =	sadd.s32 s0, s3;
	s0 =	sld [smem:$0x3FAE]  }
0x30: {  	s3 =	sld [smem:$0x3FB1]  }
0x31: {  	[smem:$0x3FBA] =	sst s10  }
0x32: {  	s10 =	sld [smem:$0x3FB8];
	_ =	sdelay $0x3  }
0x33: {  	p0 =	seq.s32 s10, $0x1;
	s10 =	sld [smem:$0x3FBA];
	_ =	sdelay $0x3  }
0x34: {  	[smem:$0x3FBA] =	sst s10  }
0x35: {  	s10 =	sld [smem:$0x3FB9];
	_ =	sdelay $0x3  }
0x36: {  	p1 =	seq.s32 s10, $0x1;
	s10 =	sld [smem:$0x3FBA];
	_ =	sdelay $0x3  }
0x37: {  	[smem:$0x3FBA] =	sst s10  }
0x38: {  	s10 =	sld [smem:$0x3FBB]  }
0x39: {  	_ = 	snop;
	(pc) =	sbr.ind lr, $3  }
0x3a: {  	_ = 	snop  }
0x3b: {  	_ = 	snop  }
0x3c: {  	p2 =	seq.s32 s10, $0x1;
	s10 =	sld [smem:$0x3FBA]  }
0x3d: {  	_ =	shalt  }
0x3e: {  	_ =	shalt  }
0x3f: {  	_ =	shalt  }
0x40: {  	_ =	shalt  }
0x41: {  	_ =	shalt  }
0x42: {  	_ =	shalt  }
0x43: {  	_ =	shalt  }
0x44: {  	_ =	shalt  }
0x45: {  	_ =	shalt  }
0x46: {  	_ =	shalt  }
0x47: {  	_ =	shalt  }
0x48: {  	_ =	shalt  }
0x49: {  	_ =	shalt  }
0x4a: {  	_ =	shalt  }
0x4b: {  	_ =	shalt  }
0x4c: {  	_ =	shalt  }
0x4d: {  	_ =	shalt  }
0x4e: {  	_ =	shalt  }
0x4f: {  	_ =	shalt  }
0x50: {  	_ =	shalt  }
0x51: {  	_ =	shalt  }
0x52: {  	_ =	shalt  }
0x53: {  	_ =	shalt  }
0x54: {  	_ =	shalt  }
0x55: {  	_ =	shalt  }
0x56: {  	_ =	shalt  }
0x57: {  	_ =	shalt  }
0x58: {  	_ =	shalt  }
0x59: {  	_ =	shalt  }
0x5a: {  	_ =	shalt  }
0x5b: {  	_ =	shalt  }
0x5c: {  	_ =	shalt  }
0x5d: {  	_ =	shalt  }
0x5e: {  	_ =	shalt  }
0x5f: {  	_ =	shalt  }
0x60: {  	_ =	shalt  }
0x61: {  	_ =	shalt  }
0x62: {  	_ =	shalt  }
0x63: {  	_ =	shalt  }
0x64: {  	_ =	shalt  }
0x65: {  	_ =	shalt  }
0x66: {  	_ =	shalt  }
0x67: {  	_ =	shalt  }
0x68: {  	_ =	shalt  }
0x69: {  	_ =	shalt  }
0x6a: {  	_ =	shalt  }
0x6b: {  	_ =	shalt  }
0x6c: {  	_ =	shalt  }
0x6d: {  	_ =	shalt  }
0x6e: {  	_ =	shalt  }
0x6f: {  	_ =	shalt  }
0x70: {  	_ =	shalt  }
0x71: {  	_ =	shalt  }
0x72: {  	_ =	shalt  }
0x73: {  	_ =	shalt  }
0x74: {  	_ =	shalt  }
0x75: {  	_ =	shalt  }
0x76: {  	_ =	shalt  }
0x77: {  	_ =	shalt  }
0x78: {  	_ =	shalt  }
0x79: {  	_ =	shalt  }
0x7a: {  	_ =	shalt  }
0x7b: {  	_ =	shalt  }
0x7c: {  	_ =	shalt  }
0x7d: {  	_ =	shalt  }
0x7e: {  	_ =	shalt  }
0x7f: {  	_ =	shalt  }
0x80: {  	_ =	shalt  }
0x81: {  	_ =	shalt  }
0x82: {  	_ =	shalt  }
0x83: {  	_ =	shalt  }
0x84: {  	_ =	shalt  }
0x85: {  	_ =	shalt  }
0x86: {  	_ =	shalt  }
0x87: {  	_ =	shalt  }
.Lfunc_end0:
.L_simem_size_0:
called_computation_lowered:
.L_overlay_start_0:
0x88: {  	s2 =	sld [smem:$0x3FD9]  }
0x89: {  	s3 =	sld [smem:$0x3FFE];
	_ =	sdelay $0x1  }
0x8a: {  	s1 =	srdreg.scid  }
0x8b: {  	s0 =	sand.u32 $0x1, s1  }
0x8c: {  	s16 =	sshll.u32 s0, $0xA;
	s2 =	sadd.s32 s3, s2  }
0x8d: {  	s2 =	sadd.s32 s2, s16  }
0x8e: {  	[smem:$0x3FC6] =	sst s2  }
0x8f: {  	_ = 	snop  }
0x90: {  	(tm) =	ssettm $0x1  }
0x91: {  	s17 =	sld [smem:$0x3FFB];
	_ =	sdelay $0x3  }
0x92: {  	_ =	strace s17  }
0x93: {  	s2 =	sld [smem:$0x3FFC];
	_ =	sdelay $0x3  }
0x94: {  	_ =	strace s2  }
0x95: {  	s2 =	sld [smem:$0x3FFD];
	_ =	sdelay $0x3  }
0x96: {  	_ =	strace s2  }
0x97: {  	_ =	strace $0x8FFFFFFF  }
0x98: {  	s18 =	sld [smem:$0x3FDB];
	_ =	sdelay $0x1  }
0x99: {  	s19 =	simm.s32 $_scs_section_size  }
0x9a: {  	s4 =	simm.s32 $_size__tile_overlayer_lowered;
	s5 =	simm.s32 $_tile_overlayer_lowered  }
0x9b: {  	s22 =	simm.s32 $0x1BFF;
	s21 =	sshll.u32 s5, $0x1;
	s2 =	sadd.s32 s19, s18  }
0x9c: {  	s6 =	simm.s32 $0x0;
	s20 =	sshll.u32 s4, $0x1;
	s4 =	sadd.s32 s21, s2  }
0x9d: {  	[timem:s6], [sflag:s22] =	dma.local [hbm:s4], s20  }
0x9e: {  	_ =	swait.ge [sflag:s22], s20  }
0x9f: {  	s3 =	ssub.s32 $0x0, s20;
	[sflag:s22] =	ssyncset.done $0x0  }
0xa0: {  	[sflag:s22] =	ssyncadd.s32 s3;
	_ =	sdelay $0x1  }
0xa1: {  	s23 =	simm.s32 $0x1B8B  }
0xa2: {  	_ =	swait.ge [sflag:s23], $0x1  }
0xa3: {  	[sflag:s23] =	ssyncset.done $0x0  }
0xa4: {  	s25 =	simm.s32 $0x1B8E;
	s24 =	sld [smem:$0x3FFE];
	[sflag:s23] =	ssyncadd.s32 $0xFFFFFFFF  }
0xa5: {  	s26 =	simm.s32 $execute0_lowered;
	[smem:$0x3FD2] =	sst s25  }
0xa6: {  	s4 =	sshll.u32 s26, $0x1;
	_ =	strace $0x80000046;
	[dreg:$0x1] =	wrdreg $0xFFFFFFFF  }
0xa7: {  	s28 =	simm.s32 $_size_execute0_lowered;
	s2 =	sadd.s32 s2, s4;
	[dreg:$0x0] =	wrdreg $0x0  }
0xa8: {  	s4 =	sshll.u32 s28, $0x1;
	[dreg:$0x2] =	wrdreg s2  }
0xa9: {  	[dreg:$0x3] =	wrdreg s4  }
0xaa: {  	[dreg:$0x4] =	wrdreg $0xC0  }
0xab: {  	_ =	task [dreg:s6], $0x5FFFF  }
0xac: {  	[dreg:$0x1] =	wrdreg $0xFFFFFFFF  }
0xad: {  	[dreg:$0x0] =	wrdreg $0x60  }
0xae: {  	[dreg:$0x2] =	wrdreg s24  }
0xaf: {  	[dreg:$0x3] =	wrdreg $0x9  }
0xb0: {  	_ =	task.clear_ibuf [dreg:s6], $0x4FFFF;
	_ =	strace $0x90000046  }
0xb1: {  	s29 =	simm.s32 $0x9;
	_ =	strace $0x80000048  }
0xb2: {  	_ =	swait.ge [sflag:s29], $0x1  }
0xb3: {  	[sflag:s29] =	ssyncadd.s32 $0xFFFFFFFF  }
0xb4: {  	_ =	strace $0x90000048  }
0xb5: {  	_ =	sfence  }
0xb6: {  	s30 =	sld [smem:$0x0];
	_ =	sdelay $0x2  }
0xb7: {  	s31 =	sshll.u32 s1, $0xD;
	s1 =	sshrl.u32 s1, $0x2  }
0xb8: {  	s3 =	sand.u32 $0x4000, s31;
	s1 =	sadd.s32 s1, s30  }
0xb9: {  	s0 =	sor.u32 s3, s0;
	s1 =	sshll.u32 s1, $0x11  }
0xba: {  	s0 =	sor.u32 s1, s0  }
0xbb: {  	s0 =	sadd.s32 $0x8F2B, s0  }
0xbc: {  	[sflag:s0] =	ssyncadd.remote.s32 $0x1  }
0xbd: {  	_ =	sfence.sel $0xFFFF  }
0xbe: {  	[dreg:$0x0] =	wrdreg $0xFFFFFFFF;
	(pc) =	sbr.abs _section_cstart, $3  }
0xbf: {  	[dreg:$0x1] =	wrdreg $0xFFFFFFFF  }
0xc0: {  	_ =	task.clear_ibuf [dreg:s6], $0x2FFFF;
	_ =	strace $0x9FFFFFFF  }
0xc1: {  	(tm) =	ssettm $0x7FFFFFFF  }
tec
execute0_lowered:
.L_overlay_start_1:
0x0: {  	(tag) =	ssettag $0x1  }
0x1: {  	v0 =	vlaneseq.u32  }
0x2: {  	v0 =	vmul.u32 $0x45, v0;
	_ =	sdelay $0x1  }
0x3: {  	v1 =	vadd.s32 $0x21, v0  }
0x4: {  	[tilespmem:$0x1FC10] =	vst v1;
	v1 =	vadd.s32 $0x22, v0  }
0x5: {  	[tilespmem:$0x1FC20] =	vst v1;
	v1 =	vadd.s32 $0x23, v0  }
0x6: {  	[tilespmem:$0x1FC30] =	vst v1;
	v1 =	vadd.s32 $0x24, v0  }
0x7: {  	[tilespmem:$0x1FC40] =	vst v1;
	v1 =	vadd.s32 $0x25, v0  }
0x8: {  	[tilespmem:$0x1FC50] =	vst v1;
	v1 =	vadd.s32 $0x26, v0  }
0x9: {  	[tilespmem:$0x1FC60] =	vst v1;
	v1 =	vadd.s32 $0x27, v0  }
0xa: {  	[tilespmem:$0x1FC70] =	vst v1;
	v1 =	vadd.s32 $0x28, v0  }
0xb: {  	[tilespmem:$0x1FC80] =	vst v1;
	v1 =	vadd.s32 $0x29, v0  }
0xc: {  	[tilespmem:$0x1FC90] =	vst v1;
	v1 =	vadd.s32 $0x2A, v0  }
0xd: {  	[tilespmem:$0x1FCA0] =	vst v1;
	v1 =	vadd.s32 $0x2B, v0  }
0xe: {  	[tilespmem:$0x1FCB0] =	vst v1;
	v1 =	vadd.s32 $0x2C, v0  }
0xf: {  	[tilespmem:$0x1FCC0] =	vst v1;
	v1 =	vadd.s32 $0x2D, v0  }
0x10: {  	[tilespmem:$0x1FCD0] =	vst v1;
	v1 =	vadd.s32 $0x2E, v0  }
0x11: {  	s4 =	rddreg [dreg:$0x0];
	s2 =	simm.s32 $0x0;
	[tilespmem:$0x1FCE0] =	vst v1;
	v1 =	vadd.s32 $0x2F, v0  }
0x12: {  	s1 =	srdreg.scid;
	[smem:$0x7FF] =	sst s2;
	[tilespmem:$0x1FCF0] =	vst v1;
	v1 =	vadd.s32 $0x30, v0  }
0x13: {  	s3 =	sand.u32 $0x1, s1;
	s1 =	rddreg [dreg:$0x1];
	_ =	strace $0x80000047;
	[tilespmem:$0x1FD00] =	vst v1  }
0x14: {  	v2 =	vadd.s32 $0x1, v0;
	[tilespmem:$0x1FDF0] =	vst v0  }
0x15: {  	v3 =	vadd.s32 $0x2, v0;
	[tilespmem:$0x1FE00] =	vst v2  }
0x16: {  	v4 =	vadd.s32 $0x3, v0;
	[tilespmem:$0x1FE10] =	vst v3  }
0x17: {  	v6 =	vadd.s32 $0x4, v0;
	[tilespmem:$0x1FE20] =	vst v4  }
0x18: {  	v9 =	vadd.s32 $0x5, v0;
	[tilespmem:$0x1FE30] =	vst v6  }
0x19: {  	v11 =	vadd.s32 $0x6, v0;
	[tilespmem:$0x1FE40] =	vst v9  }
0x1a: {  	v13 =	vadd.s32 $0x7, v0;
	[tilespmem:$0x1FE50] =	vst v11  }
0x1b: {  	v15 =	vadd.s32 $0x8, v0;
	[tilespmem:$0x1FE60] =	vst v13  }
0x1c: {  	v17 =	vadd.s32 $0x9, v0;
	[tilespmem:$0x1FE70] =	vst v15  }
0x1d: {  	v19 =	vadd.s32 $0xA, v0;
	[tilespmem:$0x1FE80] =	vst v17  }
0x1e: {  	v21 =	vadd.s32 $0xB, v0;
	[tilespmem:$0x1FE90] =	vst v19  }
0x1f: {  	v23 =	vadd.s32 $0xC, v0;
	[tilespmem:$0x1FEA0] =	vst v21  }
0x20: {  	v22 =	vadd.s32 $0xD, v0;
	[tilespmem:$0x1FEB0] =	vst v23  }
0x21: {  	v27 =	vadd.s32 $0xE, v0;
	[tilespmem:$0x1FEC0] =	vst v22  }
0x22: {  	v28 =	vadd.s32 $0xF, v0;
	[tilespmem:$0x1FED0] =	vst v27  }
0x23: {  	v31 =	vadd.s32 $0x10, v0;
	[tilespmem:$0x1FEE0] =	vst v28  }
0x24: {  	v32 =	vadd.s32 $0x11, v0;
	[tilespmem:$0x1FEF0] =	vst v31  }
0x25: {  	v35 =	vadd.s32 $0x12, v0;
	[tilespmem:$0x1FF00] =	vst v32  }
0x26: {  	v37 =	vadd.s32 $0x13, v0;
	[tilespmem:$0x1FF10] =	vst v35  }
0x27: {  	v38 =	vadd.s32 $0x14, v0;
	[tilespmem:$0x1FF20] =	vst v37  }
0x28: {  	v41 =	vadd.s32 $0x15, v0;
	[tilespmem:$0x1FF30] =	vst v38  }
0x29: {  	v43 =	vadd.s32 $0x16, v0;
	[tilespmem:$0x1FF40] =	vst v41  }
0x2a: {  	v45 =	vadd.s32 $0x17, v0;
	[tilespmem:$0x1FF50] =	vst v43  }
0x2b: {  	v47 =	vadd.s32 $0x18, v0;
	[tilespmem:$0x1FF60] =	vst v45  }
0x2c: {  	v49 =	vadd.s32 $0x19, v0;
	[tilespmem:$0x1FF70] =	vst v47  }
0x2d: {  	v51 =	vadd.s32 $0x1A, v0;
	[tilespmem:$0x1FF80] =	vst v49  }
0x2e: {  	v53 =	vadd.s32 $0x1B, v0;
	[tilespmem:$0x1FF90] =	vst v51  }
0x2f: {  	v52 =	vadd.s32 $0x1C, v0;
	[tilespmem:$0x1FFA0] =	vst v53  }
0x30: {  	v56 =	vadd.s32 $0x1D, v0;
	[tilespmem:$0x1FFB0] =	vst v52  }
0x31: {  	v55 =	vadd.s32 $0x1E, v0;
	[tilespmem:$0x1FFC0] =	vst v56  }
0x32: {  	v57 =	vadd.s32 $0x1F, v0;
	[tilespmem:$0x1FFD0] =	vst v55  }
0x33: {  	v60 =	vadd.s32 $0x20, v0;
	[tilespmem:$0x1FFE0] =	vst v57  }
0x34: {  	v1 =	vadd.s32 $0x31, v0;
	[tilespmem:$0x1FFF0] =	vst v60  }
0x35: {  	[tilespmem:$0x1FD10] =	vst v1;
	v1 =	vadd.s32 $0x32, v0  }
0x36: {  	[tilespmem:$0x1FD20] =	vst v1;
	v1 =	vadd.s32 $0x33, v0  }
0x37: {  	[tilespmem:$0x1FD30] =	vst v1;
	v1 =	vadd.s32 $0x34, v0  }
0x38: {  	[tilespmem:$0x1FD40] =	vst v1;
	v1 =	vadd.s32 $0x35, v0  }
0x39: {  	[tilespmem:$0x1FD50] =	vst v1;
	v1 =	vadd.s32 $0x36, v0  }
0x3a: {  	[tilespmem:$0x1FD60] =	vst v1;
	v1 =	vadd.s32 $0x37, v0  }
0x3b: {  	s0 =	stileid.u32;
	[tilespmem:$0x1FD70] =	vst v1;
	v1 =	vadd.s32 $0x38, v0  }
0x3c: {  	s31 =	sshll.u32 s0, $0x1;
	[tilespmem:$0x1FD80] =	vst v1;
	v1 =	vadd.s32 $0x39, v0  }
0x3d: {  	s5 =	sor.u32 s3, s31;
	[tilespmem:$0x1FD90] =	vst v1;
	v1 =	vadd.s32 $0x3A, v0  }
0x3e: {  	s9 =	simm.s32 $0x11400;
	s7 =	ssub.s32 $0x2, s3;
	s6 =	smul.u32 $0x1140, s5;
	[tilespmem:$0x1FDA0] =	vst v1;
	v1 =	vadd.s32 $0x3B, v0  }
0x3f: {  	s10 =	simm.s32 $0x0;
	s5 =	sshll.u32 s5, $0x4;
	s8 =	sshrl.u32 s7, $0x1;
	[tilespmem:$0x1FDB0] =	vst v1;
	v1 =	vadd.s32 $0x3C, v0  }
0x40: {  	s5 =	sadd.s32 s5, s4;
	s7 =	ssub.s32 s7, s8;
	s6 =	sadd.s32 s6, s4;
	[tilespmem:$0x1FDC0] =	vst v1;
	v1 =	vadd.s32 $0x3D, v0  }
0x41: {  	s8 =	simm.s32 $0x8A00;
	s5 =	sadd.s32 $0x600, s5;
	s3 =	sadd.s32 $0x100600, s6;
	[tilespmem:$0x1FDD0] =	vst v1;
	v1 =	vadd.s32 $0x3E, v0  }
0x42: {  	s4 =	sadd.s32 $0x122E00, s6;
	s6 =	smax.u32 s7, $0x1;
	s7 =	simm.s32 $0x1;
	[tilespmem:$0x1FDE0] =	vst v1  }
.LBB2_1:
0x43: {  	[tilespmem:s2], [sflag:$0x1] =	stream.linear.gather [hbm4b:s3+s2], $0x8A00, $0x38;
	[tilespmem:$0x11480] =	vst v63  }
0x44: {  	_ =	swait.ge [sflag:s7], $0x8A00  }
0x45: {  	[sflag:s7] =	ssyncset.done $0x0  }
0x46: {  	[sflag:s7] =	ssyncadd.s32 $0xFFFF7600  }
0x47: {  	[tilespmem:s8], [sflag:$0x1] =	stream.linear.gather [hbm4b:s4+s2], $0x8A00, $0x38;
	[tilespmem:$0x11480] =	vst v63  }
0x48: {  	_ =	swait.ge [sflag:s7], $0x8A00  }
0x49: {  	[sflag:s7] =	ssyncset.done $0x0  }
0x4a: {  	v1 =	vimm.f32 $0.0e+00;
	[sflag:s7] =	ssyncadd.s32 $0xFFFF7600  }
0x4b: {  	s11 =	simm.s32 $0x0;
	[tilespmem:$0x11400] =	vst v1  }
.LBB2_2:
0x4c: {  	_ =	sdelay $0x3  }
0x4d: {  	v1 =	vadd.s32 s11, v0;
	v0 =	vld [tilespmem:$0x1FE00];
	_ =	sdelay $0x4  }
0x4e: {  	v2 =	vadd.s32 s11, v0;
	v0 =	vld [tilespmem:$0x1FE10];
	_ =	sdelay $0x4  }
0x4f: {  	v3 =	vadd.s32 s11, v0;
	v0 =	vld [tilespmem:$0x1FE20];
	_ =	sdelay $0x4  }
0x50: {  	v5 =	vadd.s32 s11, v0;
	v0 =	vld [tilespmem:$0x1FE30];
	_ =	sdelay $0x4  }
0x51: {  	v7 =	vadd.s32 s11, v0;
	v0 =	vld [tilespmem:$0x1FE40];
	_ =	sdelay $0x4  }
0x52: {  	v9 =	vadd.s32 s11, v0;
	v0 =	vld [tilespmem:$0x1FE50];
	_ =	sdelay $0x4  }
0x53: {  	v11 =	vadd.s32 s11, v0;
	v0 =	vld [tilespmem:$0x1FE60];
	_ =	sdelay $0x4  }
0x54: {  	v13 =	vadd.s32 s11, v0;
	v0 =	vld [tilespmem:$0x1FE70];
	_ =	sdelay $0x4  }
0x55: {  	v15 =	vadd.s32 s11, v0;
	v0 =	vld [tilespmem:$0x1FE80];
	_ =	sdelay $0x4  }
0x56: {  	v17 =	vadd.s32 s11, v0;
	v0 =	vld [tilespmem:$0x1FE90];
	_ =	sdelay $0x4  }
0x57: {  	v19 =	vadd.s32 s11, v0;
	v0 =	vld [tilespmem:$0x1FEA0];
	_ =	sdelay $0x4  }
0x58: {  	v21 =	vadd.s32 s11, v0;
	v0 =	vld [tilespmem:$0x1FEB0];
	_ =	sdelay $0x4  }
0x59: {  	v23 =	vadd.s32 s11, v0;
	v0 =	vld [tilespmem:$0x1FEC0];
	_ =	sdelay $0x4  }
0x5a: {  	v25 =	vadd.s32 s11, v0;
	v0 =	vld [tilespmem:$0x1FED0];
	_ =	sdelay $0x4  }
0x5b: {  	v27 =	vadd.s32 s11, v0;
	v0 =	vld [tilespmem:$0x1FEE0];
	_ =	sdelay $0x4  }
0x5c: {  	v29 =	vadd.s32 s11, v0;
	v0 =	vld [tilespmem:$0x1FEF0];
	_ =	sdelay $0x4  }
0x5d: {  	v31 =	vadd.s32 s11, v0;
	v0 =	vld [tilespmem:$0x1FF00];
	_ =	sdelay $0x4  }
0x5e: {  	v33 =	vadd.s32 s11, v0;
	v0 =	vld [tilespmem:$0x1FF10];
	_ =	sdelay $0x4  }
0x5f: {  	v35 =	vadd.s32 s11, v0;
	v0 =	vld [tilespmem:$0x1FF20];
	_ =	sdelay $0x4  }
0x60: {  	v37 =	vadd.s32 s11, v0;
	v0 =	vld [tilespmem:$0x1FF30];
	_ =	sdelay $0x4  }
0x61: {  	v39 =	vadd.s32 s11, v0;
	v0 =	vld [tilespmem:$0x1FF40];
	_ =	sdelay $0x4  }
0x62: {  	v41 =	vadd.s32 s11, v0;
	v0 =	vld [tilespmem:$0x1FF50];
	_ =	sdelay $0x4  }
0x63: {  	v43 =	vadd.s32 s11, v0;
	v0 =	vld [tilespmem:$0x1FF60];
	_ =	sdelay $0x4  }
0x64: {  	v45 =	vadd.s32 s11, v0;
	v0 =	vld [tilespmem:$0x1FF70];
	_ =	sdelay $0x3  }
0x65: {  	v4 =	vld.idx.msk [tilespmem:v1+s2+$0x0], $0xffff  }
0x66: {  	v47 =	vadd.s32 s11, v0;
	v0 =	vld [tilespmem:$0x1FF80]  }
0x67: {  	v1 =	vld.idx.msk [tilespmem:v1+s8+$0x0], $0xffff  }
0x68: {  	v6 =	vld.idx.msk [tilespmem:v2+s2+$0x0], $0xffff  }
0x69: {  	v8 =	vld.idx.msk [tilespmem:v3+s2+$0x0], $0xffff  }
0x6a: {  	v3 =	vld.idx.msk [tilespmem:v3+s8+$0x0], $0xffff  }
0x6b: {  	v49 =	vadd.s32 s11, v0;
	v0 =	vld [tilespmem:$0x1FF90]  }
0x6c: {  	v2 =	vld.idx.msk [tilespmem:v2+s8+$0x0], $0xffff  }
0x6d: {  	v10 =	vld.idx.msk [tilespmem:v5+s2+$0x0], $0xffff  }
0x6e: {  	v5 =	vld.idx.msk [tilespmem:v5+s8+$0x0], $0xffff  }
0x6f: {  	v3 =	vsub.f32 v8, v3;
	v8 =	vld [tilespmem:$0x1FC20]  }
0x70: {  	v51 =	vadd.s32 s11, v0;
	v0 =	vld [tilespmem:$0x1FFA0]  }
0x71: {  	v12 =	vld.idx.msk [tilespmem:v7+s2+$0x0], $0xffff  }
0x72: {  	v7 =	vld.idx.msk [tilespmem:v7+s8+$0x0], $0xffff  }
0x73: {  	v14 =	vld.idx.msk [tilespmem:v9+s2+$0x0], $0xffff  }
0x74: {  	v9 =	vld.idx.msk [tilespmem:v9+s8+$0x0], $0xffff  }
0x75: {  	v53 =	vadd.s32 s11, v0;
	v0 =	vld [tilespmem:$0x1FFB0]  }
0x76: {  	v16 =	vld.idx.msk [tilespmem:v11+s2+$0x0], $0xffff  }
0x77: {  	v11 =	vld.idx.msk [tilespmem:v11+s8+$0x0], $0xffff  }
0x78: {  	v18 =	vld.idx.msk [tilespmem:v13+s2+$0x0], $0xffff  }
0x79: {  	v13 =	vld.idx.msk [tilespmem:v13+s8+$0x0], $0xffff  }
0x7a: {  	v55 =	vadd.s32 s11, v0;
	v0 =	vld.idx.msk [tilespmem:v51+s2+$0x0], $0xffff  }
0x7b: {  	v20 =	vld.idx.msk [tilespmem:v15+s2+$0x0], $0xffff  }
0x7c: {  	v22 =	vld.idx.msk [tilespmem:v17+s2+$0x0], $0xffff  }
0x7d: {  	v8 =	vadd.s32 s11, v8;
	v17 =	vld.idx.msk [tilespmem:v17+s8+$0x0], $0xffff  }
0x7e: {  	v15 =	vld.idx.msk [tilespmem:v15+s8+$0x0], $0xffff  }
0x7f: {  	[tilespmem:$0x1FBF0] =	vst v0;
	v0 =	vld [tilespmem:$0x1FFC0]  }
0x80: {  	v24 =	vld.idx.msk [tilespmem:v19+s2+$0x0], $0xffff  }
0x81: {  	v19 =	vld.idx.msk [tilespmem:v19+s8+$0x0], $0xffff  }
0x82: {  	v17 =	vsub.f32 v22, v17;
	v22 =	vld.idx.msk [tilespmem:v8+s2+$0x0], $0xffff  }
0x83: {  	v8 =	vld.idx.msk [tilespmem:v8+s8+$0x0], $0xffff  }
0x84: {  	v57 =	vadd.s32 s11, v0;
	v0 =	vld.idx.msk [tilespmem:v53+s2+$0x0], $0xffff  }
0x85: {  	v26 =	vld.idx.msk [tilespmem:v21+s2+$0x0], $0xffff  }
0x86: {  	v21 =	vld.idx.msk [tilespmem:v21+s8+$0x0], $0xffff  }
0x87: {  	v28 =	vld.idx.msk [tilespmem:v23+s2+$0x0], $0xffff  }
0x88: {  	v23 =	vld.idx.msk [tilespmem:v23+s8+$0x0], $0xffff  }
0x89: {  	[tilespmem:$0x1FC00] =	vst v0;
	v0 =	vld [tilespmem:$0x1FFD0]  }
0x8a: {  	v30 =	vld.idx.msk [tilespmem:v25+s2+$0x0], $0xffff  }
0x8b: {  	v32 =	vld.idx.msk [tilespmem:v27+s2+$0x0], $0xffff  }
0x8c: {  	v27 =	vld.idx.msk [tilespmem:v27+s8+$0x0], $0xffff  }
0x8d: {  	v25 =	vld.idx.msk [tilespmem:v25+s8+$0x0], $0xffff  }
0x8e: {  	v59 =	vadd.s32 s11, v0;
	v0 =	vld [tilespmem:$0x1FFE0]  }
0x8f: {  	v34 =	vld.idx.msk [tilespmem:v29+s2+$0x0], $0xffff  }
0x90: {  	v13 =	vsub.f32 v18, v13;
	v29 =	vld.idx.msk [tilespmem:v29+s8+$0x0], $0xffff  }
0x91: {  	v18 =	vsub.f32 v24, v19;
	v24 =	vsub.f32 v32, v27;
	v32 =	vld [tilespmem:$0x1FC50]  }
0x92: {  	v36 =	vld.idx.msk [tilespmem:v31+s2+$0x0], $0xffff  }
0x93: {  	v61 =	vadd.s32 s11, v0;
	v0 =	vld [tilespmem:$0x1FFF0]  }
0x94: {  	v31 =	vld.idx.msk [tilespmem:v31+s8+$0x0], $0xffff  }
0x95: {  	v38 =	vld.idx.msk [tilespmem:v33+s2+$0x0], $0xffff  }
0x96: {  	v33 =	vld.idx.msk [tilespmem:v33+s8+$0x0], $0xffff  }
0x97: {  	v40 =	vld.idx.msk [tilespmem:v35+s2+$0x0], $0xffff  }
0x98: {  	v63 =	vadd.s32 s11, v0;
	v0 =	vld [tilespmem:$0x1FC10]  }
0x99: {  	v35 =	vld.idx.msk [tilespmem:v35+s8+$0x0], $0xffff  }
0x9a: {  	v15 =	vsub.f32 v20, v15;
	v20 =	vsub.f32 v26, v21;
	v44 =	vld.idx.msk [tilespmem:v39+s2+$0x0], $0xffff  }
0x9b: {  	v21 =	vsub.f32 v28, v23;
	v23 =	vsub.f32 v30, v25;
	v25 =	vadd.s32 s11, v32;
	v39 =	vld.idx.msk [tilespmem:v39+s8+$0x0], $0xffff  }
0x9c: {  	v42 =	vld.idx.msk [tilespmem:v37+s2+$0x0], $0xffff  }
0x9d: {  	v37 =	vld.idx.msk [tilespmem:v37+s8+$0x0], $0xffff;
	v0 =	vadd.s32 s11, v0  }
0x9e: {  	v46 =	vld.idx.msk [tilespmem:v41+s2+$0x0], $0xffff  }
0x9f: {  	v26 =	vsub.f32 v34, v29;
	v41 =	vld.idx.msk [tilespmem:v41+s8+$0x0], $0xffff  }
0xa0: {  	v29 =	vsub.f32 v38, v33;
	v33 =	vsub.f32 v44, v39;
	v39 =	vld.idx.msk [tilespmem:v25+s2+$0x0], $0xffff  }
0xa1: {  	v48 =	vld.idx.msk [tilespmem:v43+s2+$0x0], $0xffff  }
0xa2: {  	v11 =	vsub.f32 v16, v11;
	v16 =	vld.idx.msk [tilespmem:v0+s2+$0x0], $0xffff  }
0xa3: {  	v19 =	vld.idx.msk [tilespmem:v0+s8+$0x0], $0xffff  }
0xa4: {  	v0 =	vld [tilespmem:$0x1FC40]  }
0xa5: {  	v43 =	vld.idx.msk [tilespmem:v43+s8+$0x0], $0xffff  }
0xa6: {  	v25 =	vld.idx.msk [tilespmem:v25+s8+$0x0], $0xffff  }
0xa7: {  	v30 =	vsub.f32 v40, v35;
	v35 =	vsub.f32 v46, v41;
	v46 =	vld [tilespmem:$0x1FC80]  }
0xa8: {  	v52 =	vld.idx.msk [tilespmem:v45+s2+$0x0], $0xffff  }
0xa9: {  	v50 =	vld.idx.msk [tilespmem:v45+s8+$0x0], $0xffff;
	v0 =	vadd.s32 s11, v0  }
0xaa: {  	v27 =	vsub.f32 v36, v31;
	v36 =	vsub.f32 v48, v43;
	v48 =	vld [tilespmem:$0x1FC90]  }
0xab: {  	v56 =	vld.idx.msk [tilespmem:v47+s2+$0x0], $0xffff  }
0xac: {  	v54 =	vld.idx.msk [tilespmem:v47+s8+$0x0], $0xffff  }
0xad: {  	v58 =	vld.idx.msk [tilespmem:v49+s2+$0x0], $0xffff  }
0xae: {  	v34 =	vld.idx.msk [tilespmem:v0+s2+$0x0], $0xffff  }
0xaf: {  	v32 =	vsub.f32 v42, v37;
	v37 =	vld.idx.msk [tilespmem:v0+s8+$0x0], $0xffff  }
0xb0: {  	v0 =	vld [tilespmem:$0x1FC70]  }
0xb1: {  	v49 =	vld.idx.msk [tilespmem:v49+s8+$0x0], $0xffff  }
0xb2: {  	v45 =	vld.idx.msk [tilespmem:v61+s2+$0x0], $0xffff  }
0xb3: {  	v2 =	vsub.f32 v6, v2;
	v6 =	vld.idx.msk [tilespmem:v61+s8+$0x0], $0xffff  }
0xb4: {  	v61 =	vld [tilespmem:$0x1FC30]  }
0xb5: {  	v51 =	vld.idx.msk [tilespmem:v51+s8+$0x0], $0xffff;
	v0 =	vadd.s32 s11, v0  }
0xb6: {  	v60 =	vld.idx.msk [tilespmem:v55+s2+$0x0], $0xffff  }
0xb7: {  	v5 =	vsub.f32 v10, v5;
	v10 =	vld.idx.msk [tilespmem:v63+s2+$0x0], $0xffff  }
0xb8: {  	v7 =	vsub.f32 v12, v7;
	v12 =	vld.idx.msk [tilespmem:v63+s8+$0x0], $0xffff  }
0xb9: {  	v63 =	vadd.s32 s11, v61;
	v61 =	vld [tilespmem:$0x1FC60]  }
0xba: {  	v41 =	vadd.s32 s11, v46;
	v46 =	vld.idx.msk [tilespmem:v0+s2+$0x0], $0xffff  }
0xbb: {  	v43 =	vadd.s32 s11, v48;
	v48 =	vld.idx.msk [tilespmem:v0+s8+$0x0], $0xffff  }
0xbc: {  	v0 =	vld [tilespmem:$0x1FCA0]  }
0xbd: {  	v55 =	vld.idx.msk [tilespmem:v55+s8+$0x0], $0xffff  }
0xbe: {  	v9 =	vsub.f32 v14, v9;
	v53 =	vld.idx.msk [tilespmem:v53+s8+$0x0], $0xffff  }
0xbf: {  	v1 =	vsub.f32 v4, v1;
	v28 =	vld.idx.msk [tilespmem:v63+s2+$0x0], $0xffff  }
0xc0: {  	v40 =	vsub.f32 v5, v7;
	v7 =	vsub.f32 v7, v9;
	v14 =	vld.idx.msk [tilespmem:v63+s8+$0x0], $0xffff  }
0xc1: {  	v9 =	vsub.f32 v9, v11;
	v63 =	vadd.s32 s11, v61;
	v61 =	vadd.s32 s11, v0;
	v0 =	vld [tilespmem:$0x1FCB0]  }
0xc2: {  	v44 =	vsub.f32 v1, v2;
	v55 =	vsub.f32 v60, v55;
	v60 =	vld [tilespmem:$0x1FCF0]  }
0xc3: {  	v11 =	vsub.f32 v11, v13;
	v2 =	vsub.f32 v2, v3;
	v62 =	vld.idx.msk [tilespmem:v57+s2+$0x0], $0xffff  }
0xc4: {  	v38 =	vmul.f32 v44, v44;
	v57 =	vld.idx.msk [tilespmem:v57+s8+$0x0], $0xffff  }
0xc5: {  	v44 =	vmul.f32 v2, v2;
	v2 =	vsub.f32 v52, v50;
	v52 =	vmul.f32 v11, v11;
	v11 =	vld [tilespmem:$0x1FC00]  }
0xc6: {  	v47 =	vld.idx.msk [tilespmem:v59+s2+$0x0], $0xffff;
	v0 =	vadd.s32 s11, v0  }
0xc7: {  	v59 =	vld.idx.msk [tilespmem:v59+s8+$0x0], $0xffff  }
0xc8: {  	v6 =	vsub.f32 v45, v6;
	v45 =	vld [tilespmem:$0x1FD00]  }
0xc9: {  	v13 =	vsub.f32 v5, v15;
	v15 =	vsub.f32 v15, v17;
	v42 =	vld.idx.msk [tilespmem:v63+s2+$0x0], $0xffff  }
0xca: {  	v17 =	vsub.f32 v17, v18;
	v18 =	vsub.f32 v18, v20;
	v31 =	vld.idx.msk [tilespmem:v63+s8+$0x0], $0xffff  }
0xcb: {  	v20 =	vsub.f32 v5, v21;
	v54 =	vsub.f32 v56, v54;
	v56 =	vld.idx.msk [tilespmem:v0+s2+$0x0], $0xffff  }
0xcc: {  	v3 =	vsub.f32 v3, v5;
	v49 =	vsub.f32 v58, v49;
	v58 =	vld.idx.msk [tilespmem:v0+s8+$0x0], $0xffff  }
0xcd: {  	v5 =	vsub.f32 v29, v30;
	v30 =	vsub.f32 v30, v32;
	v0 =	vld [tilespmem:$0x1FCE0]  }
0xce: {  	v63 =	vmul.f32 v3, v3;
	v3 =	vsub.f32 v21, v23;
	v21 =	vsub.f32 v23, v24;
	v23 =	vld.idx.msk [tilespmem:v41+s2+$0x0], $0xffff  }
0xcf: {  	v32 =	vsub.f32 v1, v33;
	v24 =	vsub.f32 v24, v26;
	v41 =	vld.idx.msk [tilespmem:v41+s8+$0x0], $0xffff  }
0xd0: {  	v4 =	vmul.f32 v7, v7;
	v26 =	vsub.f32 v1, v27;
	v27 =	vsub.f32 v27, v29;
	v29 =	vld.idx.msk [tilespmem:v43+s2+$0x0], $0xffff  }
0xd1: {  	v7 =	vsub.f32 v33, v35;
	v33 =	vsub.f32 v35, v36;
	v45 =	vadd.s32 s11, v45;
	v35 =	vld.idx.msk [tilespmem:v61+s2+$0x0], $0xffff  }
0xd2: {  	v36 =	vld.idx.msk [tilespmem:v61+s8+$0x0], $0xffff;
	v0 =	vadd.s32 s11, v0  }
0xd3: {  	v61 =	vld [tilespmem:$0x1FCD0]  }
0xd4: {  	v43 =	vld.idx.msk [tilespmem:v43+s8+$0x0], $0xffff  }
0xd5: {  	v60 =	vadd.s32 s11, v60;
	v1 =	vld [tilespmem:$0x1FCC0]  }
0xd6: {  	v14 =	vsub.f32 v28, v14;
	v28 =	vld.idx.msk [tilespmem:v45+s2+$0x0], $0xffff  }
0xd7: {  	v53 =	vsub.f32 v11, v53;
	v11 =	vld.idx.msk [tilespmem:v0+s2+$0x0], $0xffff  }
0xd8: {  	v57 =	vsub.f32 v62, v57;
	v62 =	vsub.f32 v16, v19;
	v50 =	vadd.s32 s11, v61;
	v16 =	vld.idx.msk [tilespmem:v0+s8+$0x0], $0xffff  }
0xd9: {  	v0 =	vld [tilespmem:$0x1FD10]  }
0xda: {  	v42 =	vsub.f32 v42, v31;
	v31 =	vld.idx.msk [tilespmem:v60+s2+$0x0], $0xffff  }
0xdb: {  	v46 =	vsub.f32 v46, v48;
	v48 =	vld [tilespmem:$0x1FD20]  }
0xdc: {  	v1 =	vadd.s32 s11, v1;
	v61 =	vmul.f32 v18, v18;
	v18 =	vld [tilespmem:$0x1FBF0]  }
0xdd: {  	v47 =	vsub.f32 v47, v59;
	v59 =	vld.idx.msk [tilespmem:v50+s2+$0x0], $0xffff  }
0xde: {  	v10 =	vsub.f32 v10, v12;
	v12 =	vld.idx.msk [tilespmem:v50+s8+$0x0], $0xffff;
	v50 =	vmul.f32 v3, v3;
	v3 =	vadd.s32 s11, v0  }
0xdf: {  	v43 =	vsub.f32 v29, v43;
	v29 =	vld.idx.msk [tilespmem:v45+s8+$0x0], $0xffff  }
0xe0: {  	v35 =	vsub.f32 v35, v36;
	v36 =	vsub.f32 v56, v58;
	v56 =	vld [tilespmem:$0x1FD30]  }
0xe1: {  	v51 =	vsub.f32 v18, v51;
	v18 =	vld.idx.msk [tilespmem:v1+s2+$0x0], $0xffff  }
0xe2: {  	v0 =	vld.idx.msk [tilespmem:v60+s8+$0x0], $0xffff  }
0xe3: {  	v45 =	vmul.f32 v26, v26;
	v19 =	vadd.s32 s11, v48;
	v26 =	vld.idx.msk [tilespmem:v3+s2+$0x0], $0xffff  }
0xe4: {  	v58 =	vsub.f32 v54, v49;
	v60 =	vsub.f32 v49, v51;
	v49 =	vld.idx.msk [tilespmem:v3+s8+$0x0], $0xffff  }
0xe5: {  	v8 =	vsub.f32 v22, v8;
	v22 =	vadd.s32 s11, v56;
	v3 =	vld [tilespmem:$0x1FD40]  }
0xe6: {  	v34 =	vsub.f32 v34, v37;
	v37 =	vmul.f32 v21, v21;
	v21 =	vsub.f32 v2, v54;
	v1 =	vld.idx.msk [tilespmem:v1+s8+$0x0], $0xffff  }
0xe7: {  	v39 =	vsub.f32 v39, v25;
	v41 =	vsub.f32 v23, v41;
	v23 =	vmul.f32 v60, v60;
	v60 =	vld [tilespmem:$0x1FD50]  }
0xe8: {  	v25 =	vmul.f32 v21, v21;
	v54 =	vsub.f32 v59, v12;
	v12 =	vmul.f32 v58, v58;
	v56 =	vld.idx.msk [tilespmem:v19+s2+$0x0], $0xffff  }
0xe9: {  	v58 =	vmul.f32 v27, v27;
	v59 =	vld [tilespmem:$0x1FD60]  }
0xea: {  	v27 =	vadd.f32 v12, v44;
	v44 =	vld.idx.msk [tilespmem:v22+s2+$0x0], $0xffff;
	v21 =	vadd.s32 s11, v3;
	v3 =	vadd.f32 v25, v38  }
0xeb: {  	v38 =	vld.idx.msk [tilespmem:v19+s8+$0x0], $0xffff;
	v19 =	vadd.f32 v23, v63;
	v63 =	vsub.f32 v53, v55  }
0xec: {  	v1 =	vsub.f32 v18, v1;
	v18 =	vsub.f32 v51, v53;
	v25 =	vadd.s32 s11, v60;
	v53 =	vld.idx.msk [tilespmem:v22+s8+$0x0], $0xffff  }
0xed: {  	v40 =	vmul.f32 v40, v40;
	v12 =	vmul.f32 v63, v63;
	v63 =	vld [tilespmem:$0x1FD70]  }
0xee: {  	v48 =	vmul.f32 v24, v24;
	v24 =	vmul.f32 v18, v18;
	v59 =	vadd.s32 s11, v59;
	v23 =	vld [tilespmem:$0x1FD80]  }
0xef: {  	v22 =	vsub.f32 v55, v57;
	v60 =	vsub.f32 v57, v47;
	v47 =	vld.idx.msk [tilespmem:v21+s2+$0x0], $0xffff  }
0xf0: {  	v24 =	vadd.f32 v24, v40;
	v40 =	vld.idx.msk [tilespmem:v21+s8+$0x0], $0xffff  }
0xf1: {  	v57 =	vsub.f32 v51, v6;
	v18 =	vmul.f32 v22, v22;
	v21 =	vmul.f32 v60, v60;
	v60 =	vld.idx.msk [tilespmem:v25+s2+$0x0], $0xffff  }
0xf2: {  	v22 =	vadd.f32 v12, v4;
	v12 =	vsub.f32 v6, v10;
	v55 =	vadd.s32 s11, v63;
	v63 =	vld.idx.msk [tilespmem:v25+s8+$0x0], $0xffff  }
0xf3: {  	v9 =	vmul.f32 v9, v9;
	v15 =	vmul.f32 v15, v15;
	v21 =	vadd.f32 v21, v52;
	v52 =	vld.idx.msk [tilespmem:v59+s2+$0x0], $0xffff  }
0xf4: {  	v4 =	vmul.f32 v12, v12;
	v25 =	vmul.f32 v57, v57;
	v57 =	vld.idx.msk [tilespmem:v59+s8+$0x0], $0xffff  }
0xf5: {  	v59 =	vld [tilespmem:$0x1FD90]  }
0xf6: {  	v6 =	vadd.s32 s11, v23;
	v23 =	vadd.f32 v18, v9;
	v18 =	vadd.f32 v4, v15;
	v15 =	vld [tilespmem:$0x1FDA0];
	_ =	sdelay $0x3  }
0xf7: {  	v17 =	vmul.f32 v17, v17;
	v10 =	vsub.f32 v10, v62  }
0xf8: {  	v8 =	vsub.f32 v62, v8;
	v12 =	vadd.s32 s11, v59;
	v9 =	vadd.s32 s11, v15;
	v15 =	vld [tilespmem:$0x1FDB0]  }
0xf9: {  	v28 =	vsub.f32 v28, v29;
	v35 =	vsub.f32 v43, v35;
	v4 =	vmul.f32 v10, v10  }
0xfa: {  	v16 =	vsub.f32 v11, v16;
	v10 =	vsub.f32 v51, v14  }
0xfb: {  	v13 =	vmul.f32 v13, v13;
	v51 =	vld.idx.msk [tilespmem:v6+s2+$0x0], $0xffff;
	v17 =	vadd.f32 v4, v17;
	v4 =	vsub.f32 v34, v39  }
0xfc: {  	v8 =	vmul.f32 v8, v8;
	v0 =	vsub.f32 v31, v0;
	v62 =	vsub.f32 v14, v34;
	v34 =	vld.idx.msk [tilespmem:v6+s8+$0x0], $0xffff  }
0xfd: {  	v39 =	vsub.f32 v39, v42;
	v4 =	vmul.f32 v4, v4;
	v42 =	vld.idx.msk [tilespmem:v12+s8+$0x0], $0xffff;
	v6 =	vadd.s32 s11, v15  }
0xfe: {  	v15 =	vadd.f32 v8, v61;
	v8 =	vmul.f32 v10, v10;
	v10 =	vmul.f32 v62, v62;
	v62 =	vld [tilespmem:$0x1FDC0]  }
0xff: {  	v20 =	vmul.f32 v20, v20;
	v26 =	vsub.f32 v26, v49;
	v38 =	vsub.f32 v56, v38;
	v61 =	vld.idx.msk [tilespmem:v12+s2+$0x0], $0xffff  }
0x100: {  	v25 =	vadd.f32 v25, v13;
	v12 =	vadd.f32 v4, v37;
	v4 =	vmul.f32 v39, v39;
	v39 =	vld [tilespmem:$0x1FDD0]  }
0x101: {  	v40 =	vsub.f32 v47, v40;
	v56 =	vsub.f32 v60, v63;
	v37 =	vld.idx.msk [tilespmem:v9+s8+$0x0], $0xffff  }
0x102: {  	v49 =	vsub.f32 v52, v57;
	v14 =	vadd.f32 v8, v20;
	v20 =	vld.idx.msk [tilespmem:v9+s2+$0x0], $0xffff  }
0x103: {  	v9 =	vsub.f32 v46, v41;
	v8 =	vadd.f32 v4, v48;
	v48 =	vld [tilespmem:$0x1FDE0];
	v62 =	vadd.s32 s11, v62  }
0x104: {  	v60 =	vsub.f32 v16, v0;
	v13 =	vadd.f32 v10, v50;
	v50 =	vmul.f32 v7, v7;
	v10 =	vld [tilespmem:$0x1FDF0]  }
0x105: {  	v7 =	vsub.f32 v2, v46;
	v9 =	vmul.f32 v9, v9;
	v39 =	vadd.s32 s11, v39;
	v46 =	vld.idx.msk [tilespmem:v6+s2+$0x0], $0xffff  }
0x106: {  	v5 =	vmul.f32 v5, v5;
	v0 =	vsub.f32 v0, v28;
	v4 =	vsub.f32 v41, v43;
	v41 =	vld.idx.msk [tilespmem:v6+s8+$0x0], $0xffff  }
0x107: {  	v30 =	vmul.f32 v30, v30;
	v28 =	vsub.f32 v28, v26;
	v9 =	vadd.f32 v9, v58;
	v58 =	vld [tilespmem:$0x1FDF0]  }
0x108: {  	v63 =	vsub.f32 v26, v38;
	v7 =	vmul.f32 v7, v7;
	v6 =	vadd.s32 s11, v48;
	v48 =	vld.idx.msk [tilespmem:v62+s2+$0x0], $0xffff  }
0x109: {  	v0 =	vmul.f32 v0, v0;
	v4 =	vmul.f32 v4, v4;
	v10 =	vadd.s32 $0x3F, v10;
	v43 =	vld.idx.msk [tilespmem:v62+s8+$0x0], $0xffff  }
0x10a: {  	v2 =	vsub.f32 v2, v36;
	v62 =	vadd.s32 s11, v10;
	v10 =	vadd.f32 v7, v45;
	v45 =	vld.idx.msk [tilespmem:v39+s2+$0x0], $0xffff  }
0x10b: {  	v36 =	vsub.f32 v36, v1;
	v7 =	vadd.f32 v4, v5;
	v4 =	vmul.f32 v35, v35;
	v35 =	vld.idx.msk [tilespmem:v39+s8+$0x0], $0xffff  }
0x10c: {  	v28 =	vmul.f32 v28, v28;
	v34 =	vsub.f32 v51, v34;
	v5 =	vld [tilespmem:$0x1FDF0];
	v58 =	vadd.s32 $0x40, v58  }
0x10d: {  	v39 =	vadd.s32 s11, v58;
	v58 =	vld.idx.msk [tilespmem:v6+s2+$0x0], $0xffff;
	v30 =	vadd.f32 v4, v30;
	v4 =	vmul.f32 v36, v36  }
0x10e: {  	v32 =	vmul.f32 v32, v32;
	v19 =	vadd.f32 v28, v19;
	v1 =	vsub.f32 v1, v54;
	v54 =	vld.idx.msk [tilespmem:v6+s8+$0x0], $0xffff  }
0x10f: {  	v33 =	vmul.f32 v33, v33;
	v0 =	vadd.f32 v0, v27;
	v4 =	vadd.f32 v4, v50;
	v50 =	vld [tilespmem:$0x1FDF0]  }
0x110: {  	v19 =	vmax.f32 v19, $1.000000020e-35;
	v2 =	vmul.f32 v2, v2;
	v1 =	vmul.f32 v1, v1;
	v6 =	vld [tilespmem:$0x1FDF0]  }
0x111: {  	v0 =	vmax.f32 v0, $1.000000020e-35;
	v47 =	vshrl.u32 v19, $0x1;
	v42 =	vsub.f32 v61, v42;
	v36 =	vld.idx.msk [tilespmem:v62+s2+$0x0], $0xffff  }
0x112: {  	v61 =	vmul.f32 v60, v60;
	v32 =	vadd.f32 v2, v32;
	v1 =	vadd.f32 v1, v33;
	v62 =	vld.idx.msk [tilespmem:v62+s8+$0x0], $0xffff  }
0x113: {  	v20 =	vsub.f32 v20, v37;
	v37 =	vsub.f32 v46, v41;
	v5 =	vadd.s32 $0x41, v5;
	v2 =	vld.idx.msk [tilespmem:v39+s2+$0x0], $0xffff  }
0x114: {  	v41 =	vsub.f32 v48, v43;
	v5 =	vadd.s32 s11, v5;
	v11 =	vld.idx.msk [tilespmem:v39+s8+$0x0], $0xffff;
	v50 =	vadd.s32 $0x43, v50  }
0x115: {  	v35 =	vsub.f32 v45, v35;
	v39 =	vsub.f32 v44, v53;
	v33 =	vadd.s32 s11, v50;
	v50 =	vld [tilespmem:$0x1FDF0]  }
0x116: {  	v6 =	vadd.s32 $0x42, v6;
	v46 =	vsub.f32 v58, v54;
	v53 =	vsub.f32 v40, v56  }
0x117: {  	v59 =	vld.idx.msk [tilespmem:v55+s2+$0x0], $0xffff;
	v56 =	vsub.f32 v26, v49;
	v26 =	vsub.f32 v26, v20;
	v6 =	vadd.s32 s11, v6  }
0x118: {  	v55 =	vld.idx.msk [tilespmem:v55+s8+$0x0], $0xffff;
	v54 =	vshrl.u32 v0, $0x1;
	v20 =	vsub.f32 v20, v37;
	v37 =	vsub.f32 v37, v41  }
0x119: {  	v35 =	vsub.f32 v41, v35;
	v38 =	vsub.f32 v38, v39;
	v60 =	vmul.f32 v56, v56;
	v29 =	vld.idx.msk [tilespmem:v5+s2+$0x0], $0xffff  }
0x11a: {  	v37 =	vmul.f32 v37, v37;
	v36 =	vsub.f32 v36, v62;
	v5 =	vld.idx.msk [tilespmem:v5+s8+$0x0], $0xffff;
	v31 =	vadd.s32 $0x44, v50  }
0x11b: {  	v62 =	vadd.f32 v61, v3;
	v51 =	vmul.f32 v38, v38;
	v31 =	vadd.s32 s11, v31  }
0x11c: {  	v26 =	vmul.f32 v26, v26;
	v25 =	vadd.f32 v60, v25;
	v12 =	vadd.f32 v37, v12;
	v44 =	vld.idx.msk [tilespmem:v6+s2+$0x0], $0xffff  }
0x11d: {  	v20 =	vmul.f32 v20, v20;
	v48 =	vsub.f32 v2, v11;
	v6 =	vld.idx.msk [tilespmem:v6+s8+$0x0], $0xffff;
	v22 =	vadd.f32 v51, v22  }
0x11e: {  	v25 =	vmax.f32 v25, $1.000000020e-35;
	v12 =	vmax.f32 v12, $1.000000020e-35;
	v50 =	vsub.f32 v59, v55;
	v57 =	vld.idx.msk [tilespmem:v33+s2+$0x0], $0xffff  }
0x11f: {  	v33 =	vld.idx.msk [tilespmem:v33+s8+$0x0], $0xffff;
	v55 =	vmul.f32 $5.000000000e-01, v0;
	v22 =	vmax.f32 v22, $1.000000020e-35;
	v5 =	vsub.f32 v29, v5  }
0x120: {  	v29 =	vmul.f32 v63, v63;
	v61 =	vsub.f32 v49, v50;
	v63 =	vsub.f32 v50, v34;
	v59 =	vld.idx.msk [tilespmem:v31+s2+$0x0], $0xffff  }
0x121: {  	v34 =	vsub.f32 v34, v42;
	v49 =	vmul.f32 $5.000000000e-01, v19;
	v50 =	vsub.f32 v46, v36;
	v31 =	vld.idx.msk [tilespmem:v31+s8+$0x0], $0xffff  }
0x122: {  	v11 =	vsub.f32 v44, v6;
	v6 =	vmax.f32 v62, $1.000000020e-35;
	v44 =	vsub.f32 v39, v40  }
0x123: {  	v24 =	vadd.f32 v29, v24;
	v39 =	vsub.s32 $0x5F3759DF, v54;
	v5 =	vsub.f32 v48, v5  }
0x124: {  	v43 =	vshrl.u32 v6, $0x1;
	v58 =	vmul.f32 v39, v55;
	v28 =	vmul.f32 v61, v61  }
0x125: {  	v34 =	vmul.f32 v34, v34;
	v2 =	vsub.f32 v57, v33;
	v33 =	vmul.f32 $5.000000000e-01, v6  }
0x126: {  	v27 =	vmul.f32 v44, v44;
	v3 =	vsub.f32 v59, v31;
	v31 =	vsub.s32 $0x5F3759DF, v43  }
0x127: {  	v36 =	vsub.f32 v36, v48;
	v57 =	vmul.f32 v53, v53;
	v45 =	vmul.f32 v31, v33  }
0x128: {  	v44 =	vsub.f32 v16, v46;
	v24 =	vmax.f32 v24, $1.000000020e-35;
	v5 =	vmul.f32 v5, v5  }
0x129: {  	v16 =	vsub.f32 v16, v11;
	v18 =	vadd.f32 v28, v18;
	v52 =	vmul.f32 v31, v45  }
0x12a: {  	v62 =	vmul.f32 v39, v58;
	v34 =	vadd.f32 v34, v15;
	v15 =	vadd.f32 v26, v14  }
0x12b: {  	v28 =	vmul.f32 v35, v35;
	v14 =	vadd.f32 v20, v13;
	v29 =	vsub.f32 $1.500000000e+00, v52  }
0x12c: {  	v58 =	vshrl.u32 v22, $0x1;
	v23 =	vadd.f32 v27, v23;
	v11 =	vsub.f32 v11, v2  }
0x12d: {  	v21 =	vadd.f32 v57, v21;
	v59 =	vmul.f32 v31, v29;
	v31 =	vsub.f32 $1.500000000e+00, v62  }
0x12e: {  	v16 =	vmul.f32 v16, v16;
	v18 =	vmax.f32 v18, $1.000000020e-35;
	v11 =	vmul.f32 v11, v11  }
0x12f: {  	v15 =	vmax.f32 v15, $1.000000020e-35;
	v43 =	vmul.f32 v59, v33;
	v31 =	vmul.f32 v39, v31  }
0x130: {  	v14 =	vmax.f32 v14, $1.000000020e-35;
	v4 =	vadd.f32 v11, v4;
	v2 =	vsub.f32 v2, v3  }
0x131: {  	v23 =	vmax.f32 v23, $1.000000020e-35;
	v38 =	vmul.f32 v43, v59;
	v39 =	vmul.f32 v31, v55  }
0x132: {  	v21 =	vmax.f32 v21, $1.000000020e-35;
	v4 =	vmax.f32 v4, $1.000000020e-35;
	v2 =	vmul.f32 v2, v2  }
0x133: {  	v52 =	vshrl.u32 v24, $0x1;
	v38 =	vsub.f32 $1.500000000e+00, v38;
	v45 =	vmul.f32 v39, v31  }
0x134: {  	v1 =	vadd.f32 v2, v1;
	v29 =	vmul.f32 v63, v63;
	v39 =	vsub.s32 $0x5F3759DF, v47  }
0x135: {  	v51 =	vmul.f32 v39, v49;
	v27 =	vmul.f32 v38, v59;
	v35 =	vsub.f32 $1.500000000e+00, v45  }
0x136: {  	v63 =	vshrl.u32 v23, $0x1;
	v38 =	vmul.f32 v44, v44;
	v44 =	vmul.f32 $5.000000000e-01, v24  }
0x137: {  	v43 =	vsub.s32 $0x5F3759DF, v52;
	v33 =	vmul.f32 v27, v33;
	v31 =	vmul.f32 v35, v31  }
0x138: {  	v1 =	vmax.f32 v1, $1.000000020e-35;
	v35 =	vmul.f32 v39, v51;
	v54 =	vmul.f32 v43, v44  }
0x139: {  	v29 =	vadd.f32 v29, v17;
	v33 =	vmul.f32 v33, v27;
	v40 =	vmul.f32 v31, v55  }
0x13a: {  	v45 =	vmul.f32 $5.000000000e-01, v23;
	v51 =	vmul.f32 $5.000000000e-01, v21;
	v35 =	vsub.f32 $1.500000000e+00, v35  }
0x13b: {  	v55 =	vmul.f32 v43, v54;
	v33 =	vsub.f32 $1.500000000e+00, v33;
	v40 =	vmul.f32 v40, v31  }
0x13c: {  	v29 =	vmax.f32 v29, $1.000000020e-35;
	v57 =	vmul.f32 v39, v35;
	v39 =	vmul.f32 $5.000000000e-01, v22  }
0x13d: {  	v35 =	vsub.s32 $0x5F3759DF, v58;
	v53 =	vmul.f32 v33, v27;
	v33 =	vmul.f32 v50, v50  }
0x13e: {  	v56 =	vsub.f32 $1.500000000e+00, v40;
	v59 =	vmul.f32 v57, v49;
	v50 =	vshrl.u32 v21, $0x1  }
0x13f: {  	v60 =	vmul.f32 v35, v39;
	v52 =	vsub.s32 $0x5F3759DF, v50;
	v17 =	vmul.f32 v53, v6  }
0x140: {  	v6 =	vsub.f32 $1.500000000e+00, v55;
	v31 =	vmul.f32 v56, v31;
	v61 =	vmul.f32 v59, v57  }
0x141: {  	v10 =	vadd.f32 v38, v10;
	v26 =	vmul.f32 v35, v60;
	v54 =	vmul.f32 v52, v51  }
0x142: {  	v6 =	vmul.f32 v43, v6;
	v0 =	vmul.f32 v31, v0;
	v31 =	vsub.s32 $0x5F3759DF, v63  }
0x143: {  	v55 =	vmul.f32 v36, v36;
	v13 =	vsub.f32 $1.500000000e+00, v61;
	v46 =	vmul.f32 v31, v45  }
0x144: {  	v26 =	vsub.f32 $1.500000000e+00, v26;
	v56 =	vmul.f32 v52, v54;
	v62 =	vmul.f32 v6, v44  }
0x145: {  	v10 =	vmax.f32 v10, $1.000000020e-35;
	v27 =	vmul.f32 v13, v57;
	v13 =	vmul.f32 v31, v46  }
0x146: {  	v61 =	vshrl.u32 v25, $0x1;
	v26 =	vmul.f32 v35, v26;
	v20 =	vmul.f32 v62, v6  }
0x147: {  	v7 =	vadd.f32 v55, v7;
	v47 =	vmul.f32 v27, v49;
	v49 =	vsub.f32 $1.500000000e+00, v13  }
0x148: {  	v48 =	vmul.f32 v26, v39;
	v62 =	vmul.f32 $5.000000000e-01, v25;
	v20 =	vsub.f32 $1.500000000e+00, v20  }
0x149: {  	v36 =	vsub.s32 $0x5F3759DF, v61;
	v35 =	vmul.f32 v47, v27;
	v53 =	vmul.f32 v31, v49  }
0x14a: {  	v59 =	vsub.f32 $1.500000000e+00, v56;
	v6 =	vmul.f32 v20, v6;
	v20 =	vmul.f32 v48, v26  }
0x14b: {  	v7 =	vmax.f32 v7, $1.000000020e-35;
	v13 =	vadd.f32 v28, v8;
	v35 =	vsub.f32 $1.500000000e+00, v35  }
0x14c: {  	v42 =	vmul.f32 v36, v62;
	v58 =	vmul.f32 v53, v45;
	v20 =	vsub.f32 $1.500000000e+00, v20  }
0x14d: {  	v8 =	vadd.f32 v33, v9;
	v57 =	vmul.f32 v6, v44;
	v27 =	vmul.f32 v35, v27  }
0x14e: {  	v13 =	vmax.f32 v13, $1.000000020e-35;
	v33 =	vmul.f32 v58, v53;
	v20 =	vmul.f32 v20, v26  }
0x14f: {  	v8 =	vmax.f32 v8, $1.000000020e-35;
	v9 =	vmul.f32 v57, v6;
	v26 =	vmul.f32 v52, v59  }
0x150: {  	v19 =	vmul.f32 v27, v19;
	v33 =	vsub.f32 $1.500000000e+00, v33;
	v60 =	vmul.f32 v20, v39  }
0x151: {  	v52 =	vshrl.u32 v29, $0x1;
	v63 =	vmul.f32 v26, v51;
	v39 =	vmul.f32 $5.000000000e-01, v29  }
0x152: {  	v58 =	vld [tilespmem:$0x11400];
	v9 =	vsub.f32 $1.500000000e+00, v9;
	v28 =	vmul.f32 v33, v53;
	v33 =	vmul.f32 v36, v42  }
0x153: {  	v38 =	vsub.s32 $0x5F3759DF, v52;
	v35 =	vmul.f32 v60, v20;
	v43 =	vmul.f32 v63, v26  }
0x154: {  	v48 =	vshrl.u32 v18, $0x1;
	v6 =	vmul.f32 v9, v6;
	v54 =	vmul.f32 v38, v39  }
0x155: {  	v45 =	vmul.f32 v28, v45;
	v46 =	vsub.f32 $1.500000000e+00, v33;
	v44 =	vsub.f32 $1.500000000e+00, v35  }
0x156: {  	v31 =	vsub.f32 $1.500000000e+00, v43;
	v6 =	vmul.f32 v6, v24;
	v57 =	vmul.f32 v38, v54  }
0x157: {  	v17 =	vadd.f32 v58, v17;
	v47 =	vmul.f32 v45, v28;
	v9 =	vmul.f32 v44, v20  }
0x158: {  	v27 =	vsub.s32 $0x5F3759DF, v48;
	v26 =	vmul.f32 v31, v26;
	v20 =	vmul.f32 v36, v46  }
0x159: {  	v0 =	vadd.f32 v17, v0;
	v31 =	vmul.f32 $5.000000000e-01, v18;
	v59 =	vsub.f32 $1.500000000e+00, v57  }
0x15a: {  	v24 =	vsub.f32 $1.500000000e+00, v47;
	v49 =	vmul.f32 v26, v51;
	v50 =	vmul.f32 v20, v62  }
0x15b: {  	v58 =	vshrl.u32 v15, $0x1;
	v51 =	vmul.f32 v27, v31;
	v22 =	vmul.f32 v9, v22  }
0x15c: {  	v0 =	vadd.f32 v0, v19;
	v44 =	vmul.f32 v38, v59;
	v24 =	vmul.f32 v24, v28  }
0x15d: {  	v28 =	vmax.f32 v34, $1.000000020e-35;
	v35 =	vmul.f32 v50, v20;
	v36 =	vmul.f32 v27, v51  }
0x15e: {  	v59 =	vmul.f32 $5.000000000e-01, v15;
	v33 =	vmul.f32 v49, v26;
	v60 =	vshrl.u32 v28, $0x1  }
0x15f: {  	v49 =	vmul.f32 v44, v39;
	v55 =	vsub.f32 $1.500000000e+00, v35;
	v56 =	vsub.f32 $1.500000000e+00, v36  }
0x160: {  	v23 =	vmul.f32 v24, v23;
	v53 =	vsub.f32 $1.500000000e+00, v33;
	v35 =	vmul.f32 $5.000000000e-01, v28  }
0x161: {  	v63 =	vsub.s32 $0x5F3759DF, v60;
	v20 =	vmul.f32 v55, v20;
	v27 =	vmul.f32 v27, v56  }
0x162: {  	v9 =	vadd.f32 v5, v30;
	v26 =	vmul.f32 v53, v26;
	v45 =	vmul.f32 v63, v35  }
0x163: {  	v0 =	vadd.f32 v0, v6;
	v61 =	vmul.f32 v20, v62;
	v62 =	vmul.f32 v27, v31  }
0x164: {  	v5 =	vadd.f32 v16, v32;
	v53 =	vmul.f32 v49, v44;
	v48 =	vmul.f32 v63, v45  }
0x165: {  	v0 =	vadd.f32 v0, v22;
	v46 =	vmul.f32 v62, v27;
	v47 =	vmul.f32 v61, v20  }
0x166: {  	v21 =	vmul.f32 v26, v21;
	v51 =	vsub.f32 $1.500000000e+00, v48;
	v62 =	vshrl.u32 v14, $0x1  }
0x167: {  	v48 =	vmul.f32 $5.000000000e-01, v12;
	v16 =	vsub.f32 $1.500000000e+00, v46;
	v50 =	vsub.f32 $1.500000000e+00, v47  }
0x168: {  	v33 =	vsub.s32 $0x5F3759DF, v62;
	v55 =	vmul.f32 v63, v51;
	v63 =	vmul.f32 $5.000000000e-01, v14  }
0x169: {  	v52 =	vmul.f32 v16, v27;
	v54 =	vmul.f32 v50, v20;
	v16 =	vsub.f32 $1.500000000e+00, v53  }
0x16a: {  	v57 =	vmul.f32 v55, v35;
	v27 =	vsub.s32 $0x5F3759DF, v58;
	v40 =	vmul.f32 v33, v63  }
0x16b: {  	v9 =	vmax.f32 v9, $1.000000020e-35;
	v60 =	vmul.f32 v27, v59;
	v56 =	vmul.f32 v52, v31  }
0x16c: {  	v5 =	vmax.f32 v5, $1.000000020e-35;
	v16 =	vmul.f32 v16, v44;
	v26 =	vmul.f32 v57, v55  }
0x16d: {  	v0 =	vadd.f32 v0, v23;
	v17 =	vmul.f32 v54, v25;
	v43 =	vmul.f32 v33, v40  }
0x16e: {  	v47 =	vshrl.u32 v12, $0x1;
	v54 =	vmul.f32 $5.000000000e-01, v13;
	v30 =	vmul.f32 v27, v60  }
0x16f: {  	v24 =	vmul.f32 v56, v52;
	v61 =	vmul.f32 v16, v39;
	v26 =	vsub.f32 $1.500000000e+00, v26  }
0x170: {  	v60 =	vmul.f32 $5.000000000e-01, v10;
	v45 =	vsub.f32 $1.500000000e+00, v43;
	v41 =	vsub.f32 $1.500000000e+00, v30  }
0x171: {  	v43 =	vmul.f32 $5.000000000e-01, v8;
	v24 =	vsub.f32 $1.500000000e+00, v24;
	v32 =	vmul.f32 v61, v16  }
0x172: {  	v20 =	vmul.f32 v26, v55;
	v26 =	vsub.s32 $0x5F3759DF, v47;
	v25 =	vmul.f32 v27, v41  }
0x173: {  	v0 =	vadd.f32 v0, v21;
	v50 =	vmul.f32 v26, v48;
	v11 =	vmul.f32 v24, v52  }
0x174: {  	v53 =	vshrl.u32 v13, $0x1;
	v44 =	vmul.f32 v20, v35;
	v46 =	vmul.f32 v25, v59  }
0x175: {  	v42 =	vsub.f32 $1.500000000e+00, v32;
	v52 =	vmul.f32 v26, v50;
	v11 =	vmul.f32 v11, v18  }
0x176: {  	v31 =	vshrl.u32 v5, $0x1;
	v19 =	vmul.f32 v44, v20;
	v18 =	vmul.f32 v33, v45  }
0x177: {  	v0 =	vadd.f32 v0, v17;
	v16 =	vmul.f32 v42, v16;
	v24 =	vmul.f32 v46, v25  }
0x178: {  	v32 =	vmul.f32 $5.000000000e-01, v5;
	v19 =	vsub.f32 $1.500000000e+00, v19;
	v49 =	vmul.f32 v18, v63  }
0x179: {  	v16 =	vmul.f32 v16, v29;
	v51 =	vsub.f32 $1.500000000e+00, v24;
	v24 =	vsub.f32 $1.500000000e+00, v52  }
0x17a: {  	v0 =	vadd.f32 v0, v11;
	v19 =	vmul.f32 v19, v20;
	v6 =	vmul.f32 v49, v18  }
0x17b: {  	v20 =	vmul.f32 v51, v25;
	v25 =	vsub.s32 $0x5F3759DF, v53;
	v57 =	vmul.f32 v26, v24  }
0x17c: {  	v53 =	vmul.f32 $5.000000000e-01, v7;
	v6 =	vsub.f32 $1.500000000e+00, v6;
	v56 =	vmul.f32 v25, v54  }
0x17d: {  	v0 =	vadd.f32 v0, v16;
	v19 =	vmul.f32 v19, v28;
	v55 =	vmul.f32 v20, v59  }
0x17e: {  	v59 =	vshrl.u32 v10, $0x1;
	v62 =	vmul.f32 v57, v48;
	v6 =	vmul.f32 v6, v18  }
0x17f: {  	v58 =	vmul.f32 v25, v56;
	v26 =	vsub.s32 $0x5F3759DF, v59;
	v22 =	vmul.f32 v55, v20  }
0x180: {  	v0 =	vadd.f32 v0, v19;
	v61 =	vmul.f32 v6, v63;
	v63 =	vmul.f32 v26, v60  }
0x181: {  	v19 =	vsub.s32 $0x5F3759DF, v31;
	v35 =	vmul.f32 v62, v57;
	v62 =	vmul.f32 $5.000000000e-01, v9  }
0x182: {  	v33 =	vmul.f32 v19, v32;
	v24 =	vsub.f32 $1.500000000e+00, v58;
	v36 =	vmul.f32 v26, v63  }
0x183: {  	v22 =	vsub.f32 $1.500000000e+00, v22;
	v37 =	vsub.f32 $1.500000000e+00, v35;
	v35 =	vmul.f32 $5.000000000e-01, v4  }
0x184: {  	v34 =	vmul.f32 v61, v6;
	v24 =	vmul.f32 v25, v24;
	v25 =	vsub.f32 $1.500000000e+00, v36  }
0x185: {  	v42 =	vshrl.u32 v8, $0x1;
	v20 =	vmul.f32 v22, v20;
	v18 =	vmul.f32 v37, v57  }
0x186: {  	v61 =	vshrl.u32 v9, $0x1;
	v38 =	vmul.f32 v24, v54;
	v40 =	vmul.f32 v26, v25  }
0x187: {  	v63 =	vsub.s32 $0x5F3759DF, v61;
	v37 =	vmul.f32 $5.000000000e-01, v1;
	v41 =	vmul.f32 v18, v48  }
0x188: {  	v23 =	vsub.f32 $1.500000000e+00, v34;
	v39 =	vmul.f32 v38, v24;
	v44 =	vmul.f32 v40, v60  }
0x189: {  	v28 =	vmul.f32 v63, v62;
	v25 =	vsub.s32 $0x5F3759DF, v42;
	v3 =	vmul.f32 v41, v18  }
0x18a: {  	v45 =	vmul.f32 v25, v43;
	v21 =	vsub.f32 $1.500000000e+00, v39;
	v47 =	vmul.f32 v44, v40  }
0x18b: {  	v15 =	vmul.f32 v20, v15;
	v6 =	vmul.f32 v23, v6;
	v3 =	vsub.f32 $1.500000000e+00, v3  }
0x18c: {  	v23 =	vmul.f32 v25, v45;
	v46 =	vmul.f32 v21, v24;
	v21 =	vsub.f32 $1.500000000e+00, v47  }
0x18d: {  	v34 =	vshrl.u32 v4, $0x1;
	v6 =	vmul.f32 v6, v14;
	v3 =	vmul.f32 v3, v18  }
0x18e: {  	v49 =	vsub.f32 $1.500000000e+00, v23;
	v23 =	vsub.s32 $0x5F3759DF, v34;
	v51 =	vmul.f32 v21, v40  }
0x18f: {  	v48 =	vmul.f32 v46, v54;
	v38 =	vmul.f32 v23, v35  }
0x190: {  	v52 =	vshrl.u32 v7, $0x1;
	v14 =	vmul.f32 v25, v49;
	v54 =	vmul.f32 v51, v60  }
0x191: {  	v36 =	vshrl.u32 v1, $0x1;
	v3 =	vmul.f32 v3, v12;
	v50 =	vmul.f32 v48, v46  }
0x192: {  	v21 =	vsub.s32 $0x5F3759DF, v52;
	v55 =	vmul.f32 v14, v43;
	v57 =	vmul.f32 v54, v51  }
0x193: {  	v25 =	vsub.s32 $0x5F3759DF, v36;
	v56 =	vmul.f32 v21, v53;
	v18 =	vsub.f32 $1.500000000e+00, v50  }
0x194: {  	v39 =	vmul.f32 v25, v37;
	v11 =	vmul.f32 v55, v14;
	v59 =	vsub.f32 $1.500000000e+00, v57  }
0x195: {  	v58 =	vmul.f32 v21, v56;
	v2 =	vmul.f32 v18, v46  }
0x196: {  	v42 =	vmul.f32 v23, v38;
	v12 =	vmul.f32 v59, v51  }
0x197: {  	v11 =	vsub.f32 $1.500000000e+00, v11;
	v60 =	vsub.f32 $1.500000000e+00, v58;
	v2 =	vmul.f32 v2, v13  }
0x198: {  	v10 =	vmul.f32 v12, v10;
	v12 =	vmul.f32 v63, v28  }
0x199: {  	v45 =	vsub.f32 $1.500000000e+00, v42;
	v11 =	vmul.f32 v11, v14;
	v13 =	vmul.f32 v21, v60  }
0x19a: {  	v21 =	vmul.f32 v19, v33;
	v14 =	vmul.f32 v25, v39;
	v12 =	vsub.f32 $1.500000000e+00, v12  }
0x19b: {  	v29 =	vmul.f32 v11, v43;
	v30 =	vmul.f32 v13, v53  }
0x19c: {  	v47 =	vmul.f32 v23, v45;
	v41 =	vsub.f32 $1.500000000e+00, v21;
	v12 =	vmul.f32 v63, v12  }
0x19d: {  	v14 =	vsub.f32 $1.500000000e+00, v14;
	v16 =	vmul.f32 v29, v11;
	v18 =	vmul.f32 v30, v13  }
0x19e: {  	v0 =	vadd.f32 v0, v15;
	v44 =	vmul.f32 v19, v41;
	v43 =	vmul.f32 v12, v62  }
0x19f: {  	v50 =	vmul.f32 v47, v35;
	v14 =	vmul.f32 v25, v14;
	v18 =	vsub.f32 $1.500000000e+00, v18  }
0x1a0: {  	v40 =	vsub.f32 $1.500000000e+00, v16;
	v48 =	vmul.f32 v44, v32;
	v46 =	vmul.f32 v43, v12  }
0x1a1: {  	v0 =	vadd.f32 v0, v6;
	v51 =	vmul.f32 v14, v37;
	v13 =	vmul.f32 v18, v13  }
0x1a2: {  	v11 =	vmul.f32 v40, v11;
	v16 =	vmul.f32 v48, v44;
	v18 =	vsub.f32 $1.500000000e+00, v46  }
0x1a3: {  	v0 =	vadd.f32 v0, v3;
	v49 =	vmul.f32 v13, v53;
	v53 =	vmul.f32 v50, v47  }
0x1a4: {  	v16 =	vsub.f32 $1.500000000e+00, v16;
	v8 =	vmul.f32 v11, v8;
	v3 =	vmul.f32 v18, v12  }
0x1a5: {  	v52 =	vmul.f32 v49, v13;
	v55 =	vsub.f32 $1.500000000e+00, v53;
	v12 =	vmul.f32 v51, v14  }
0x1a6: {  	v0 =	vadd.f32 v0, v2;
	v54 =	vmul.f32 v16, v44;
	v2 =	vmul.f32 v3, v62  }
0x1a7: {  	v56 =	vsub.f32 $1.500000000e+00, v52;
	v6 =	vmul.f32 v55, v47;
	v12 =	vsub.f32 $1.500000000e+00, v12  }
0x1a8: {  	v57 =	vmul.f32 v54, v32;
	v2 =	vmul.f32 v2, v3  }
0x1a9: {  	v0 =	vadd.f32 v0, v10;
	v13 =	vmul.f32 v56, v13;
	v12 =	vmul.f32 v12, v14  }
0x1aa: {  	v10 =	vmul.f32 v57, v54;
	v58 =	vmul.f32 v6, v35;
	v2 =	vsub.f32 $1.500000000e+00, v2  }
0x1ab: {  	v0 =	vadd.f32 v0, v8;
	v7 =	vmul.f32 v13, v7;
	v60 =	vmul.f32 v12, v37  }
0x1ac: {  	v59 =	vmul.f32 v58, v6;
	v2 =	vmul.f32 v2, v3;
	v3 =	vsub.f32 $1.500000000e+00, v10  }
0x1ad: {  	v0 =	vadd.f32 v0, v7;
	v62 =	vmul.f32 v60, v12  }
0x1ae: {  	v61 =	vsub.f32 $1.500000000e+00, v59;
	v2 =	vmul.f32 v2, v9;
	v3 =	vmul.f32 v3, v54  }
0x1af: {  	v63 =	vsub.f32 $1.500000000e+00, v62  }
0x1b0: {  	v0 =	vadd.f32 v0, v2;
	v2 =	vmul.f32 v3, v5;
	v3 =	vmul.f32 v61, v6;
	_ =	sdelay $0x1  }
0x1b1: {  	v0 =	vadd.f32 v0, v2;
	v2 =	vmul.f32 v3, v4;
	v3 =	vmul.f32 v63, v12  }
0x1b2: {  	p0 =	sne.s32 s11, $0x85B0  }
.Ltmp0:
0x1b3: {  	v0 =	vadd.f32 v0, v2;
	v1 =	vmul.f32 v3, v1;
	(pc) =	sbr.rel @p0 .LBB2_2-.Ltmp0, $3  }
0x1b4: {  	_ = 	snop  }
0x1b5: {  	v0 =	vadd.f32 v1, v0;
	_ =	sdelay $0x1  }
0x1b6: {  	s11 =	sadd.s32 $0x450, s11;
	[tilespmem:$0x11400] =	vst v0;
	v0 =	vld [tilespmem:$0x1FDF0]  }
0x1b7: {  	s10 =	sadd.s32 $0x1, s10  }
0x1b8: {  	p0 =	sne.s32 s10, s6  }
.Ltmp1:
0x1b9: {  	_ = 	snop;
	(pc) =	sbr.rel @p0 .LBB2_1-.Ltmp1, $4  }
0x1ba: {  	[hbm4b:s5+s2] =	stream.linear.scatter [tilespmem:s9], [sflag:$0x1], $0x80, $0x38;
	[tilespmem:$0x11480] =	vst v63  }
0x1bb: {  	_ =	swait.ge [sflag:s7], $0x80  }
0x1bc: {  	[sflag:s7] =	ssyncset.done $0x0  }
0x1bd: {  	[sflag:s7] =	ssyncadd.s32 $0xFFFFFF80  }
0x1be: {  	_ =	sfence.sel $0x180000  }
0x1bf: {  	[bflag:$0x0] =	sbarrier.arrive $0xFFFF  }
0x1c0: {  	p0 =	sne.s32 s0, $0x0;
	_ =	strace $0x90000047  }
0x1c1: {  	s0 =	sadd.s32 @!p0 $0x100000, s1;
	[bflag:$0x2] =	sbarrier.arrive $0xFFFF  }
0x1c2: {  	[sflag:s0] =	ssyncadd.tile.s32 @!p0 $0x1;
	_ =	shalt  }
.Lfunc_end2:
_tile_overlayer_lowered:
.L_overlay_start_2:
0x1c3: {  	(tag) =	ssettag $0x2  }
0x1c4: {  	s0 =	rddreg [dreg:$0x0];
	s2 =	stileid.u32  }
0x1c5: {  	s1 =	rddreg [dreg:$0x1];
	p0 =	sne.s32 s2, $0x0  }
0x1c6: {  	s3 =	rddreg [dreg:$0x2];
	[bflag:$0x3] =	sbarrier.arrive $0xFFFF;
	s2 =	simm.s32 @!p0 $0x1C01  }
0x1c7: {  	[timem:s3], [sflag:s2] =	dma.local @!p0 [hbm:s0], s1  }
0x1c8: {  	s0 =	simm.s32 @!p0 $0x1  }
0x1c9: {  	_ =	swait.ge @!p0 [sflag:s0], s1  }
0x1ca: {  	s1 =	ssub.s32 @!p0 $0x0, s1;
	[sflag:s0] =	ssyncset.done @!p0 $0x0  }
0x1cb: {  	[sflag:s0] =	ssyncadd.s32 @!p0 s1  }
0x1cc: {  	[bflag:$0x3] =	sbarrier.arrive $0xFFFF  }
0x1cd: {  	_ =	shalt  }

</sc_bundles>
